<compile_context>
chip_gen: v7x
topology: tpu7x:2x2x1
jax: 0.10.2.dev20260603
libtpu: 0.0.44.dev20260713+nightly
codegen_flags: <defaults>
</compile_context>

<pallas_src>
import functools

import jax
import jax.numpy as jnp
from jax import lax
from jax.experimental import pallas as pl
from jax.experimental.pallas import tpu as pltpu
from jax.experimental.pallas import tpu_sc as plsc

_VOCAB = 1000000
_EMBED = 64
_B = 16384
_L = 20
_N = _B * _L
_NC = 2
_NS = 16
_NW = _NC * _NS
_ROWS_W = _B // _NW
_PER_W = _N // _NW
_XF_C = 64
_XF_R = _N // _XF_C
_XFR_W = _PER_W // _XF_C
_RBLK = 16
_CH = _RBLK * _L
_CH_XFR = _CH // _XF_C
_NCHUNK = _ROWS_W // _RBLK
_KT = 8192

_mesh = plsc.VectorSubcoreMesh(core_axis_name="c", subcore_axis_name="s")


@functools.partial(
    pl.pallas_call,
    out_shape=jax.ShapeDtypeStruct((_VOCAB, 128), jnp.float32),
    grid=(pl.cdiv(_VOCAB, _KT),),
    in_specs=[pl.BlockSpec((_EMBED, _KT), lambda i: (0, i))],
    out_specs=pl.BlockSpec((_KT, 128), lambda i: (i, 0)),
)
def _pad_transpose_tc(wt_ref, out_ref):
    t = wt_ref[...].T
    out_ref[...] = jnp.concatenate([t, jnp.zeros_like(t)], axis=1)


@functools.partial(
    pl.kernel,
    mesh=_mesh,
    out_type=jax.ShapeDtypeStruct((_XF_R, _XF_C), jnp.int32),
    scratch_types=[
        pltpu.VMEM((_ROWS_W, _L), jnp.int32),
        pltpu.VMEM((_XFR_W, _XF_C), jnp.int32),
    ],
    compiler_params=pltpu.CompilerParams(needs_layout_passes=False),
)
def _flatten_sc(x_hbm, xf_hbm, xv, fv):
    wid = lax.axis_index("s") * _NC + lax.axis_index("c")
    r0 = wid * _ROWS_W
    pltpu.sync_copy(x_hbm.at[pl.ds(r0, _ROWS_W), :], xv)

    def body(r, carry):
        i16 = lax.iota(jnp.int32, 16)
        p1 = r * _L + i16
        v1 = xv[r, pl.ds(0, 16)]
        plsc.store_scatter(fv, [p1 // _XF_C, p1 % _XF_C], v1)
        p2 = p1 + 4
        v2 = xv[r, pl.ds(4, 16)]
        plsc.store_scatter(fv, [p2 // _XF_C, p2 % _XF_C], v2, mask=i16 >= 12)
        return carry

    lax.fori_loop(0, _ROWS_W, body, 0)
    pltpu.sync_copy(fv, xf_hbm.at[pl.ds(wid * _XFR_W, _XFR_W), :])


_BLK_CUM = [(k + 1) * _XF_C // _L for k in range(_CH_XFR)]


@functools.partial(
    pl.kernel,
    mesh=_mesh,
    out_type=jax.ShapeDtypeStruct((_B, _L, _EMBED), jnp.float32),
    scratch_types=[
        pltpu.VMEM((_XFR_W, _XF_C), jnp.int32),
        pltpu.VMEM((_CH, 128), jnp.float32),
        pltpu.VMEM((_CH, _EMBED), jnp.float32),
        [pltpu.SemaphoreType.DMA] * _CH_XFR,
        pltpu.SemaphoreType.DMA,
    ],
)
def _embed_sc(xf_hbm, table_hbm, out_hbm, idx_v, rows_v, rows64_v, gsems, ssem):
    wid = lax.axis_index("s") * _NC + lax.axis_index("c")
    row0 = wid * _ROWS_W
    xfr0 = wid * _XFR_W
    pltpu.sync_copy(xf_hbm.at[pl.ds(xfr0, _XFR_W), :], idx_v)

    def fire(i, k):
        pltpu.async_copy(
            table_hbm.at[idx_v.at[i * _CH_XFR + k]],
            rows_v.at[pl.ds(k * _XF_C, _XF_C), :],
            gsems[k],
        )

    def wait_store(b):
        pltpu.make_async_copy(
            rows64_v.at[pl.ds(b * _L, _L), :], out_hbm.at[0], ssem
        ).wait()

    for k in range(_CH_XFR):
        fire(0, k)

    def body(i, carry):
        r = row0 + i * _RBLK
        nblk = 0
        for k in range(_CH_XFR):
            pltpu.make_async_copy(
                table_hbm.at[idx_v.at[i * _CH_XFR + k]],
                rows_v.at[pl.ds(k * _XF_C, _XF_C), :],
                gsems[k],
            ).wait()

            if k == 0:
                @pl.when(i > 0)
                def _drain_prev():
                    for b in range(_RBLK):
                        wait_store(b)

            def depad(j, c):
                for c4 in range(4):
                    rows64_v[j, pl.ds(c4 * 16, 16)] = rows_v[j, pl.ds(c4 * 16, 16)]
                return c

            lax.fori_loop(k * _XF_C, (k + 1) * _XF_C, depad, 0)

            @pl.when(i < _NCHUNK - 1)
            def _prefetch():
                fire(i + 1, k)

            for b in range(nblk, _BLK_CUM[k]):
                pltpu.async_copy(
                    rows64_v.at[pl.ds(b * _L, _L), :], out_hbm.at[r + b], ssem
                )
            nblk = _BLK_CUM[k]
        return carry

    lax.fori_loop(0, _NCHUNK, body, 0)
    for b in range(_RBLK):
        wait_store(b)


def kernel(x, W):
    table = _pad_transpose_tc(W.T)
    xf = _flatten_sc(x.astype(jnp.int32))
    return _embed_sc(xf, table)

# --- scband reference (transcript-rebuilt; emitter-appended) ---
"""Pipeline reference for scband-vocab-parallel-embedding-4930622456196 (READ-ONLY COPY).

The authoritative reference and input builder live on the scoring server;
editing this copy changes nothing except your own understanding.
"""

import jax, jax.numpy as jnp
import numpy as np

VOCAB = 1000000
EMBED = 64
B = 16384
L = 20

def setup_inputs(seed: int = 0) -> dict:
    key = jax.random.key(seed)
    k_idx, k_w = jax.random.split(key)
    x = jax.random.randint(k_idx, (B, L), 0, VOCAB, dtype=jnp.int64 if jax.config.read('jax_enable_x64') else jnp.int32)
    W = jax.random.normal(k_w, (VOCAB, EMBED), dtype=jnp.float32)
    return {"x": x, "W": W}

def reference(x, W):
    # nn.Embedding forward: gather rows of the table by index
    return jnp.take(W, x, axis=0)

if __name__ == "__main__":
    import jax
    _d = setup_inputs()
    print(jax.jit(kernel)(*tuple(_d.values())))

</pallas_src>

<mosaic_0001>
#map = affine_map<(d0, d1) -> (0, 0)>
#map1 = affine_map<(d0, d1) -> (0, 0, 0)>
module attributes {stable_mosaic.version = 14 : i64} {
  func.func @_embed_sc(%arg0: i32, %arg1: i32, %arg2: memref<5120x64xi32, #tpu.memory_space<hbm>>, %arg3: memref<1000000x128xf32, #tpu.memory_space<hbm>>, %arg4: memref<16384x20x64xf32, #tpu.memory_space<hbm>>, %arg5: memref<160x64xi32, #tpu.memory_space<vmem>>, %arg6: memref<320x128xf32, #tpu.memory_space<vmem>>, %arg7: memref<320x64xf32, #tpu.memory_space<vmem>>, %arg8: memref<!tpu.dma_semaphore, #tpu.memory_space<semaphore_mem>>, %arg9: memref<!tpu.dma_semaphore, #tpu.memory_space<semaphore_mem>>, %arg10: memref<!tpu.dma_semaphore, #tpu.memory_space<semaphore_mem>>, %arg11: memref<!tpu.dma_semaphore, #tpu.memory_space<semaphore_mem>>, %arg12: memref<!tpu.dma_semaphore, #tpu.memory_space<semaphore_mem>>, %arg13: memref<!tpu.dma_semaphore, #tpu.memory_space<semaphore_mem>>) attributes {dimension_semantics = [#tpu.dimension_semantics<core_parallel>, #tpu.dimension_semantics<subcore_parallel>], iteration_bounds = array<i64: 2, 16>, scalar_prefetch = 0 : i64, scratch_operands = 9 : i64, tpu.core_type = #tpu.core_type<sc_vector_subcore>, window_params = [{transform_indices = #map}, {transform_indices = #map}, {transform_indices = #map1}]} {
    %mul3A = arith.constant 2 : i32
    %mul3A_0 = arith.muli %arg1, %mul3A : i32
    %add3A = arith.addi %mul3A_0, %arg0 : i32
    %mul3A_1 = arith.constant 512 : i32
    %mul3A_2 = arith.muli %add3A, %mul3A_1 : i32
    %mul3A_3 = arith.constant 160 : i32
    %mul3A_4 = arith.muli %add3A, %mul3A_3 : i32
    "tpu.region"() ({
      %run_scoped3A = tpu.sem_alloc : memref<!tpu.dma_semaphore, #tpu.memory_space<semaphore_mem>>
      %dma_start3A_298 = arith.constant 0 : i32
      %dma_start3A_299 = tpu.memref_slice %arg2[%mul3A_4, %dma_start3A_298] : memref<5120x64xi32, #tpu.memory_space<hbm>> -> memref<160x64xi32, #tpu.memory_space<hbm>>
      %dma_start3A_300 = arith.constant 0 : i32
      %dma_start3A_301 = tpu.memref_slice %arg2[%mul3A_4, %dma_start3A_300] : memref<5120x64xi32, #tpu.memory_space<hbm>> -> memref<160x64xi32, #tpu.memory_space<hbm>>
      tpu.enqueue_dma source(%dma_start3A_301 : memref<160x64xi32, #tpu.memory_space<hbm>>) target(%arg5 : memref<160x64xi32, #tpu.memory_space<vmem>>) target_semaphore(%run_scoped3A : memref<!tpu.dma_semaphore, #tpu.memory_space<semaphore_mem>>)
      %dma_wait3A_302 = arith.constant 0 : i32
      %dma_wait3A_303 = tpu.memref_slice %arg2[%mul3A_4, %dma_wait3A_302] : memref<5120x64xi32, #tpu.memory_space<hbm>> -> memref<160x64xi32, #tpu.memory_space<hbm>>
      %dma_wait3A_304 = arith.constant 0 : i32
      %dma_wait3A_305 = tpu.memref_slice %arg2[%mul3A_4, %dma_wait3A_304] : memref<5120x64xi32, #tpu.memory_space<hbm>> -> memref<160x64xi32, #tpu.memory_space<hbm>>
      tpu.wait_dma2 semaphore(%run_scoped3A : memref<!tpu.dma_semaphore, #tpu.memory_space<semaphore_mem>>) src(%dma_wait3A_305 : memref<160x64xi32, #tpu.memory_space<hbm>>) dst(%arg5 : memref<160x64xi32, #tpu.memory_space<vmem>>)
      tpu.yield
    }) : () -> ()
    %dma_start3A = arith.constant 0 : i32
    %dma_start3A_5 = arith.constant 0 : i32
    %dma_start3A_6 = arith.constant 0 : i32
    %dma_start3A_7 = tpu.memref_slice %arg6[%dma_start3A_5, %dma_start3A_6] : memref<320x128xf32, #tpu.memory_space<vmem>> -> memref<64x128xf32, #tpu.memory_space<vmem>>
    %dma_start3A_8 = arith.constant 0 : i32
    %dma_start3A_9 = tpu.memref_slice %arg5[%dma_start3A, %dma_start3A_8] : memref<160x64xi32, #tpu.memory_space<vmem>> -> memref<1x64xi32, #tpu.memory_space<vmem>>
    %dma_start3A_10 = tpu.memref_squeeze %dma_start3A_9 : memref<1x64xi32, #tpu.memory_space<vmem>> -> memref<64xi32, #tpu.memory_space<vmem>>
    %dma_start3A_11 = arith.constant 0 : i32
    %dma_start3A_12 = arith.constant 0 : i32
    %dma_start3A_13 = tpu.memref_slice %arg3[%dma_start3A_11, %dma_start3A_12] : memref<1000000x128xf32, #tpu.memory_space<hbm>> -> memref<1000000x128xf32, #tpu.memory_space<hbm>>
    tpu.enqueue_indirect_dma source(%dma_start3A_13 : memref<1000000x128xf32, #tpu.memory_space<hbm>>) target(%dma_start3A_7 : memref<64x128xf32, #tpu.memory_space<vmem>>) offsets(%dma_start3A_10 : memref<64xi32, #tpu.memory_space<vmem>>) semaphore(%arg8 : memref<!tpu.dma_semaphore, #tpu.memory_space<semaphore_mem>>)
    %dma_start3A_14 = arith.constant 1 : i32
    %dma_start3A_15 = arith.constant 64 : i32
    %dma_start3A_16 = arith.constant 0 : i32
    %dma_start3A_17 = tpu.memref_slice %arg6[%dma_start3A_15, %dma_start3A_16] : memref<320x128xf32, #tpu.memory_space<vmem>> -> memref<64x128xf32, #tpu.memory_space<vmem>>
    %dma_start3A_18 = arith.constant 0 : i32
    %dma_start3A_19 = tpu.memref_slice %arg5[%dma_start3A_14, %dma_start3A_18] : memref<160x64xi32, #tpu.memory_space<vmem>> -> memref<1x64xi32, #tpu.memory_space<vmem>>
    %dma_start3A_20 = tpu.memref_squeeze %dma_start3A_19 : memref<1x64xi32, #tpu.memory_space<vmem>> -> memref<64xi32, #tpu.memory_space<vmem>>
    %dma_start3A_21 = arith.constant 0 : i32
    %dma_start3A_22 = arith.constant 0 : i32
    %dma_start3A_23 = tpu.memref_slice %arg3[%dma_start3A_21, %dma_start3A_22] : memref<1000000x128xf32, #tpu.memory_space<hbm>> -> memref<1000000x128xf32, #tpu.memory_space<hbm>>
    tpu.enqueue_indirect_dma source(%dma_start3A_23 : memref<1000000x128xf32, #tpu.memory_space<hbm>>) target(%dma_start3A_17 : memref<64x128xf32, #tpu.memory_space<vmem>>) offsets(%dma_start3A_20 : memref<64xi32, #tpu.memory_space<vmem>>) semaphore(%arg9 : memref<!tpu.dma_semaphore, #tpu.memory_space<semaphore_mem>>)
    %dma_start3A_24 = arith.constant 2 : i32
    %dma_start3A_25 = arith.constant 128 : i32
    %dma_start3A_26 = arith.constant 0 : i32
    %dma_start3A_27 = tpu.memref_slice %arg6[%dma_start3A_25, %dma_start3A_26] : memref<320x128xf32, #tpu.memory_space<vmem>> -> memref<64x128xf32, #tpu.memory_space<vmem>>
    %dma_start3A_28 = arith.constant 0 : i32
    %dma_start3A_29 = tpu.memref_slice %arg5[%dma_start3A_24, %dma_start3A_28] : memref<160x64xi32, #tpu.memory_space<vmem>> -> memref<1x64xi32, #tpu.memory_space<vmem>>
    %dma_start3A_30 = tpu.memref_squeeze %dma_start3A_29 : memref<1x64xi32, #tpu.memory_space<vmem>> -> memref<64xi32, #tpu.memory_space<vmem>>
    %dma_start3A_31 = arith.constant 0 : i32
    %dma_start3A_32 = arith.constant 0 : i32
    %dma_start3A_33 = tpu.memref_slice %arg3[%dma_start3A_31, %dma_start3A_32] : memref<1000000x128xf32, #tpu.memory_space<hbm>> -> memref<1000000x128xf32, #tpu.memory_space<hbm>>
    tpu.enqueue_indirect_dma source(%dma_start3A_33 : memref<1000000x128xf32, #tpu.memory_space<hbm>>) target(%dma_start3A_27 : memref<64x128xf32, #tpu.memory_space<vmem>>) offsets(%dma_start3A_30 : memref<64xi32, #tpu.memory_space<vmem>>) semaphore(%arg10 : memref<!tpu.dma_semaphore, #tpu.memory_space<semaphore_mem>>)
    %dma_start3A_34 = arith.constant 3 : i32
    %dma_start3A_35 = arith.constant 192 : i32
    %dma_start3A_36 = arith.constant 0 : i32
    %dma_start3A_37 = tpu.memref_slice %arg6[%dma_start3A_35, %dma_start3A_36] : memref<320x128xf32, #tpu.memory_space<vmem>> -> memref<64x128xf32, #tpu.memory_space<vmem>>
    %dma_start3A_38 = arith.constant 0 : i32
    %dma_start3A_39 = tpu.memref_slice %arg5[%dma_start3A_34, %dma_start3A_38] : memref<160x64xi32, #tpu.memory_space<vmem>> -> memref<1x64xi32, #tpu.memory_space<vmem>>
    %dma_start3A_40 = tpu.memref_squeeze %dma_start3A_39 : memref<1x64xi32, #tpu.memory_space<vmem>> -> memref<64xi32, #tpu.memory_space<vmem>>
    %dma_start3A_41 = arith.constant 0 : i32
    %dma_start3A_42 = arith.constant 0 : i32
    %dma_start3A_43 = tpu.memref_slice %arg3[%dma_start3A_41, %dma_start3A_42] : memref<1000000x128xf32, #tpu.memory_space<hbm>> -> memref<1000000x128xf32, #tpu.memory_space<hbm>>
    tpu.enqueue_indirect_dma source(%dma_start3A_43 : memref<1000000x128xf32, #tpu.memory_space<hbm>>) target(%dma_start3A_37 : memref<64x128xf32, #tpu.memory_space<vmem>>) offsets(%dma_start3A_40 : memref<64xi32, #tpu.memory_space<vmem>>) semaphore(%arg11 : memref<!tpu.dma_semaphore, #tpu.memory_space<semaphore_mem>>)
    %dma_start3A_44 = arith.constant 4 : i32
    %dma_start3A_45 = arith.constant 256 : i32
    %dma_start3A_46 = arith.constant 0 : i32
    %dma_start3A_47 = tpu.memref_slice %arg6[%dma_start3A_45, %dma_start3A_46] : memref<320x128xf32, #tpu.memory_space<vmem>> -> memref<64x128xf32, #tpu.memory_space<vmem>>
    %dma_start3A_48 = arith.constant 0 : i32
    %dma_start3A_49 = tpu.memref_slice %arg5[%dma_start3A_44, %dma_start3A_48] : memref<160x64xi32, #tpu.memory_space<vmem>> -> memref<1x64xi32, #tpu.memory_space<vmem>>
    %dma_start3A_50 = tpu.memref_squeeze %dma_start3A_49 : memref<1x64xi32, #tpu.memory_space<vmem>> -> memref<64xi32, #tpu.memory_space<vmem>>
    %dma_start3A_51 = arith.constant 0 : i32
    %dma_start3A_52 = arith.constant 0 : i32
    %dma_start3A_53 = tpu.memref_slice %arg3[%dma_start3A_51, %dma_start3A_52] : memref<1000000x128xf32, #tpu.memory_space<hbm>> -> memref<1000000x128xf32, #tpu.memory_space<hbm>>
    tpu.enqueue_indirect_dma source(%dma_start3A_53 : memref<1000000x128xf32, #tpu.memory_space<hbm>>) target(%dma_start3A_47 : memref<64x128xf32, #tpu.memory_space<vmem>>) offsets(%dma_start3A_50 : memref<64xi32, #tpu.memory_space<vmem>>) semaphore(%arg12 : memref<!tpu.dma_semaphore, #tpu.memory_space<semaphore_mem>>)
    %scan3A = arith.constant 0 : i32
    %scan3A_54 = arith.constant 0 : i32
    %scan3A_55 = arith.constant 32 : i32
    %scan3A_56 = arith.addi %scan3A_54, %scan3A_55 : i32
    %scan3A_57 = arith.constant 1 : i32
    scf.for %scan3A_298 = %scan3A_54 to %scan3A_56 step %scan3A_57  : i32 {
      %mul3A_299 = arith.constant 16 : i32
      %mul3A_300 = arith.muli %scan3A_298, %mul3A_299 : i32
      %add3A_301 = arith.addi %mul3A_2, %mul3A_300 : i32
      %mul3A_302 = arith.constant 5 : i32
      %mul3A_303 = arith.muli %scan3A_298, %mul3A_302 : i32
      %add3A_304 = arith.constant 0 : i32
      %add3A_305 = arith.addi %mul3A_303, %add3A_304 : i32
      %dma_wait3A_306 = arith.constant 0 : i32
      %dma_wait3A_307 = arith.constant 0 : i32
      %dma_wait3A_308 = tpu.memref_slice %arg6[%dma_wait3A_306, %dma_wait3A_307] : memref<320x128xf32, #tpu.memory_space<vmem>> -> memref<64x128xf32, #tpu.memory_space<vmem>>
      %dma_wait3A_309 = arith.constant 0 : i32
      %dma_wait3A_310 = tpu.memref_slice %arg5[%add3A_305, %dma_wait3A_309] : memref<160x64xi32, #tpu.memory_space<vmem>> -> memref<1x64xi32, #tpu.memory_space<vmem>>
      %dma_wait3A_311 = tpu.memref_squeeze %dma_wait3A_310 : memref<1x64xi32, #tpu.memory_space<vmem>> -> memref<64xi32, #tpu.memory_space<vmem>>
      %dma_wait3A_312 = arith.constant 0 : i32
      %dma_wait3A_313 = arith.constant 0 : i32
      %dma_wait3A_314 = tpu.memref_slice %arg3[%dma_wait3A_312, %dma_wait3A_313] : memref<1000000x128xf32, #tpu.memory_space<hbm>> -> memref<1000000x128xf32, #tpu.memory_space<hbm>>
      tpu.wait_indirect_dma semaphore(%arg8 : memref<!tpu.dma_semaphore, #tpu.memory_space<semaphore_mem>>) src(%dma_wait3A_314 : memref<1000000x128xf32, #tpu.memory_space<hbm>>) dst(%dma_wait3A_308 : memref<64x128xf32, #tpu.memory_space<vmem>>)
      %gt3A = arith.constant 0 : i32
      %gt3A_315 = arith.cmpi sgt, %scan3A_298, %gt3A : i32
      %convert_element_type3A = arith.extui %gt3A_315 : i1 to i32
      %cond3A = arith.constant 0 : i32
      %cond3A_316 = arith.cmpi ne, %convert_element_type3A, %cond3A : i32
      scf.if %cond3A_316 {
        %dma_wait3A_679 = arith.constant 0 : i32
        %dma_wait3A_680 = arith.constant 0 : i32
        %dma_wait3A_681 = arith.constant 0 : i32
        %dma_wait3A_682 = tpu.memref_slice %arg7[%dma_wait3A_680, %dma_wait3A_681] : memref<320x64xf32, #tpu.memory_space<vmem>> -> memref<20x64xf32, #tpu.memory_space<vmem>>
        %dma_wait3A_683 = arith.constant 0 : i32
        %dma_wait3A_684 = arith.constant 0 : i32
        %dma_wait3A_685 = tpu.memref_slice %arg4[%dma_wait3A_679, %dma_wait3A_683, %dma_wait3A_684] : memref<16384x20x64xf32, #tpu.memory_space<hbm>> -> memref<1x20x64xf32, #tpu.memory_space<hbm>>
        %dma_wait3A_686 = tpu.memref_squeeze %dma_wait3A_685 : memref<1x20x64xf32, #tpu.memory_space<hbm>> -> memref<20x64xf32, #tpu.memory_space<hbm>>
        %dma_wait3A_687 = arith.constant 0 : i32
        %dma_wait3A_688 = arith.constant 0 : i32
        %dma_wait3A_689 = tpu.memref_slice %arg4[%dma_wait3A_679, %dma_wait3A_687, %dma_wait3A_688] : memref<16384x20x64xf32, #tpu.memory_space<hbm>> -> memref<1x20x64xf32, #tpu.memory_space<hbm>>
        %dma_wait3A_690 = tpu.memref_squeeze %dma_wait3A_689 : memref<1x20x64xf32, #tpu.memory_space<hbm>> -> memref<20x64xf32, #tpu.memory_space<hbm>>
        %dma_wait3A_691 = arith.constant 0 : i32
        %dma_wait3A_692 = arith.constant 0 : i32
        %dma_wait3A_693 = tpu.memref_slice %arg7[%dma_wait3A_691, %dma_wait3A_692] : memref<320x64xf32, #tpu.memory_space<vmem>> -> memref<20x64xf32, #tpu.memory_space<vmem>>
        tpu.wait_dma2 semaphore(%arg13 : memref<!tpu.dma_semaphore, #tpu.memory_space<semaphore_mem>>) src(%dma_wait3A_693 : memref<20x64xf32, #tpu.memory_space<vmem>>) dst(%dma_wait3A_690 : memref<20x64xf32, #tpu.memory_space<hbm>>)
        %dma_wait3A_694 = arith.constant 0 : i32
        %dma_wait3A_695 = arith.constant 20 : i32
        %dma_wait3A_696 = arith.constant 0 : i32
        %dma_wait3A_697 = tpu.memref_slice %arg7[%dma_wait3A_695, %dma_wait3A_696] : memref<320x64xf32, #tpu.memory_space<vmem>> -> memref<20x64xf32, #tpu.memory_space<vmem>>
        %dma_wait3A_698 = arith.constant 0 : i32
        %dma_wait3A_699 = arith.constant 0 : i32
        %dma_wait3A_700 = tpu.memref_slice %arg4[%dma_wait3A_694, %dma_wait3A_698, %dma_wait3A_699] : memref<16384x20x64xf32, #tpu.memory_space<hbm>> -> memref<1x20x64xf32, #tpu.memory_space<hbm>>
        %dma_wait3A_701 = tpu.memref_squeeze %dma_wait3A_700 : memref<1x20x64xf32, #tpu.memory_space<hbm>> -> memref<20x64xf32, #tpu.memory_space<hbm>>
        %dma_wait3A_702 = arith.constant 0 : i32
        %dma_wait3A_703 = arith.constant 0 : i32
        %dma_wait3A_704 = tpu.memref_slice %arg4[%dma_wait3A_694, %dma_wait3A_702, %dma_wait3A_703] : memref<16384x20x64xf32, #tpu.memory_space<hbm>> -> memref<1x20x64xf32, #tpu.memory_space<hbm>>
        %dma_wait3A_705 = tpu.memref_squeeze %dma_wait3A_704 : memref<1x20x64xf32, #tpu.memory_space<hbm>> -> memref<20x64xf32, #tpu.memory_space<hbm>>
        %dma_wait3A_706 = arith.constant 20 : i32
        %dma_wait3A_707 = arith.constant 0 : i32
        %dma_wait3A_708 = tpu.memref_slice %arg7[%dma_wait3A_706, %dma_wait3A_707] : memref<320x64xf32, #tpu.memory_space<vmem>> -> memref<20x64xf32, #tpu.memory_space<vmem>>
        tpu.wait_dma2 semaphore(%arg13 : memref<!tpu.dma_semaphore, #tpu.memory_space<semaphore_mem>>) src(%dma_wait3A_708 : memref<20x64xf32, #tpu.memory_space<vmem>>) dst(%dma_wait3A_705 : memref<20x64xf32, #tpu.memory_space<hbm>>)
        %dma_wait3A_709 = arith.constant 0 : i32
        %dma_wait3A_710 = arith.constant 40 : i32
        %dma_wait3A_711 = arith.constant 0 : i32
        %dma_wait3A_712 = tpu.memref_slice %arg7[%dma_wait3A_710, %dma_wait3A_711] : memref<320x64xf32, #tpu.memory_space<vmem>> -> memref<20x64xf32, #tpu.memory_space<vmem>>
        %dma_wait3A_713 = arith.constant 0 : i32
        %dma_wait3A_714 = arith.constant 0 : i32
        %dma_wait3A_715 = tpu.memref_slice %arg4[%dma_wait3A_709, %dma_wait3A_713, %dma_wait3A_714] : memref<16384x20x64xf32, #tpu.memory_space<hbm>> -> memref<1x20x64xf32, #tpu.memory_space<hbm>>
        %dma_wait3A_716 = tpu.memref_squeeze %dma_wait3A_715 : memref<1x20x64xf32, #tpu.memory_space<hbm>> -> memref<20x64xf32, #tpu.memory_space<hbm>>
        %dma_wait3A_717 = arith.constant 0 : i32
        %dma_wait3A_718 = arith.constant 0 : i32
        %dma_wait3A_719 = tpu.memref_slice %arg4[%dma_wait3A_709, %dma_wait3A_717, %dma_wait3A_718] : memref<16384x20x64xf32, #tpu.memory_space<hbm>> -> memref<1x20x64xf32, #tpu.memory_space<hbm>>
        %dma_wait3A_720 = tpu.memref_squeeze %dma_wait3A_719 : memref<1x20x64xf32, #tpu.memory_space<hbm>> -> memref<20x64xf32, #tpu.memory_space<hbm>>
        %dma_wait3A_721 = arith.constant 40 : i32
        %dma_wait3A_722 = arith.constant 0 : i32
        %dma_wait3A_723 = tpu.memref_slice %arg7[%dma_wait3A_721, %dma_wait3A_722] : memref<320x64xf32, #tpu.memory_space<vmem>> -> memref<20x64xf32, #tpu.memory_space<vmem>>
        tpu.wait_dma2 semaphore(%arg13 : memref<!tpu.dma_semaphore, #tpu.memory_space<semaphore_mem>>) src(%dma_wait3A_723 : memref<20x64xf32, #tpu.memory_space<vmem>>) dst(%dma_wait3A_720 : memref<20x64xf32, #tpu.memory_space<hbm>>)
        %dma_wait3A_724 = arith.constant 0 : i32
        %dma_wait3A_725 = arith.constant 60 : i32
        %dma_wait3A_726 = arith.constant 0 : i32
        %dma_wait3A_727 = tpu.memref_slice %arg7[%dma_wait3A_725, %dma_wait3A_726] : memref<320x64xf32, #tpu.memory_space<vmem>> -> memref<20x64xf32, #tpu.memory_space<vmem>>
        %dma_wait3A_728 = arith.constant 0 : i32
        %dma_wait3A_729 = arith.constant 0 : i32
        %dma_wait3A_730 = tpu.memref_slice %arg4[%dma_wait3A_724, %dma_wait3A_728, %dma_wait3A_729] : memref<16384x20x64xf32, #tpu.memory_space<hbm>> -> memref<1x20x64xf32, #tpu.memory_space<hbm>>
        %dma_wait3A_731 = tpu.memref_squeeze %dma_wait3A_730 : memref<1x20x64xf32, #tpu.memory_space<hbm>> -> memref<20x64xf32, #tpu.memory_space<hbm>>
        %dma_wait3A_732 = arith.constant 0 : i32
        %dma_wait3A_733 = arith.constant 0 : i32
        %dma_wait3A_734 = tpu.memref_slice %arg4[%dma_wait3A_724, %dma_wait3A_732, %dma_wait3A_733] : memref<16384x20x64xf32, #tpu.memory_space<hbm>> -> memref<1x20x64xf32, #tpu.memory_space<hbm>>
        %dma_wait3A_735 = tpu.memref_squeeze %dma_wait3A_734 : memref<1x20x64xf32, #tpu.memory_space<hbm>> -> memref<20x64xf32, #tpu.memory_space<hbm>>
        %dma_wait3A_736 = arith.constant 60 : i32
        %dma_wait3A_737 = arith.constant 0 : i32
        %dma_wait3A_738 = tpu.memref_slice %arg7[%dma_wait3A_736, %dma_wait3A_737] : memref<320x64xf32, #tpu.memory_space<vmem>> -> memref<20x64xf32, #tpu.memory_space<vmem>>
        tpu.wait_dma2 semaphore(%arg13 : memref<!tpu.dma_semaphore, #tpu.memory_space<semaphore_mem>>) src(%dma_wait3A_738 : memref<20x64xf32, #tpu.memory_space<vmem>>) dst(%dma_wait3A_735 : memref<20x64xf32, #tpu.memory_space<hbm>>)
        %dma_wait3A_739 = arith.constant 0 : i32
        %dma_wait3A_740 = arith.constant 80 : i32
        %dma_wait3A_741 = arith.constant 0 : i32
        %dma_wait3A_742 = tpu.memref_slice %arg7[%dma_wait3A_740, %dma_wait3A_741] : memref<320x64xf32, #tpu.memory_space<vmem>> -> memref<20x64xf32, #tpu.memory_space<vmem>>
        %dma_wait3A_743 = arith.constant 0 : i32
        %dma_wait3A_744 = arith.constant 0 : i32
        %dma_wait3A_745 = tpu.memref_slice %arg4[%dma_wait3A_739, %dma_wait3A_743, %dma_wait3A_744] : memref<16384x20x64xf32, #tpu.memory_space<hbm>> -> memref<1x20x64xf32, #tpu.memory_space<hbm>>
        %dma_wait3A_746 = tpu.memref_squeeze %dma_wait3A_745 : memref<1x20x64xf32, #tpu.memory_space<hbm>> -> memref<20x64xf32, #tpu.memory_space<hbm>>
        %dma_wait3A_747 = arith.constant 0 : i32
        %dma_wait3A_748 = arith.constant 0 : i32
        %dma_wait3A_749 = tpu.memref_slice %arg4[%dma_wait3A_739, %dma_wait3A_747, %dma_wait3A_748] : memref<16384x20x64xf32, #tpu.memory_space<hbm>> -> memref<1x20x64xf32, #tpu.memory_space<hbm>>
        %dma_wait3A_750 = tpu.memref_squeeze %dma_wait3A_749 : memref<1x20x64xf32, #tpu.memory_space<hbm>> -> memref<20x64xf32, #tpu.memory_space<hbm>>
        %dma_wait3A_751 = arith.constant 80 : i32
        %dma_wait3A_752 = arith.constant 0 : i32
        %dma_wait3A_753 = tpu.memref_slice %arg7[%dma_wait3A_751, %dma_wait3A_752] : memref<320x64xf32, #tpu.memory_space<vmem>> -> memref<20x64xf32, #tpu.memory_space<vmem>>
        tpu.wait_dma2 semaphore(%arg13 : memref<!tpu.dma_semaphore, #tpu.memory_space<semaphore_mem>>) src(%dma_wait3A_753 : memref<20x64xf32, #tpu.memory_space<vmem>>) dst(%dma_wait3A_750 : memref<20x64xf32, #tpu.memory_space<hbm>>)
        %dma_wait3A_754 = arith.constant 0 : i32
        %dma_wait3A_755 = arith.constant 100 : i32
        %dma_wait3A_756 = arith.constant 0 : i32
        %dma_wait3A_757 = tpu.memref_slice %arg7[%dma_wait3A_755, %dma_wait3A_756] : memref<320x64xf32, #tpu.memory_space<vmem>> -> memref<20x64xf32, #tpu.memory_space<vmem>>
        %dma_wait3A_758 = arith.constant 0 : i32
        %dma_wait3A_759 = arith.constant 0 : i32
        %dma_wait3A_760 = tpu.memref_slice %arg4[%dma_wait3A_754, %dma_wait3A_758, %dma_wait3A_759] : memref<16384x20x64xf32, #tpu.memory_space<hbm>> -> memref<1x20x64xf32, #tpu.memory_space<hbm>>
        %dma_wait3A_761 = tpu.memref_squeeze %dma_wait3A_760 : memref<1x20x64xf32, #tpu.memory_space<hbm>> -> memref<20x64xf32, #tpu.memory_space<hbm>>
        %dma_wait3A_762 = arith.constant 0 : i32
        %dma_wait3A_763 = arith.constant 0 : i32
        %dma_wait3A_764 = tpu.memref_slice %arg4[%dma_wait3A_754, %dma_wait3A_762, %dma_wait3A_763] : memref<16384x20x64xf32, #tpu.memory_space<hbm>> -> memref<1x20x64xf32, #tpu.memory_space<hbm>>
        %dma_wait3A_765 = tpu.memref_squeeze %dma_wait3A_764 : memref<1x20x64xf32, #tpu.memory_space<hbm>> -> memref<20x64xf32, #tpu.memory_space<hbm>>
        %dma_wait3A_766 = arith.constant 100 : i32
        %dma_wait3A_767 = arith.constant 0 : i32
        %dma_wait3A_768 = tpu.memref_slice %arg7[%dma_wait3A_766, %dma_wait3A_767] : memref<320x64xf32, #tpu.memory_space<vmem>> -> memref<20x64xf32, #tpu.memory_space<vmem>>
        tpu.wait_dma2 semaphore(%arg13 : memref<!tpu.dma_semaphore, #tpu.memory_space<semaphore_mem>>) src(%dma_wait3A_768 : memref<20x64xf32, #tpu.memory_space<vmem>>) dst(%dma_wait3A_765 : memref<20x64xf32, #tpu.memory_space<hbm>>)
        %dma_wait3A_769 = arith.constant 0 : i32
        %dma_wait3A_770 = arith.constant 120 : i32
        %dma_wait3A_771 = arith.constant 0 : i32
        %dma_wait3A_772 = tpu.memref_slice %arg7[%dma_wait3A_770, %dma_wait3A_771] : memref<320x64xf32, #tpu.memory_space<vmem>> -> memref<20x64xf32, #tpu.memory_space<vmem>>
        %dma_wait3A_773 = arith.constant 0 : i32
        %dma_wait3A_774 = arith.constant 0 : i32
        %dma_wait3A_775 = tpu.memref_slice %arg4[%dma_wait3A_769, %dma_wait3A_773, %dma_wait3A_774] : memref<16384x20x64xf32, #tpu.memory_space<hbm>> -> memref<1x20x64xf32, #tpu.memory_space<hbm>>
        %dma_wait3A_776 = tpu.memref_squeeze %dma_wait3A_775 : memref<1x20x64xf32, #tpu.memory_space<hbm>> -> memref<20x64xf32, #tpu.memory_space<hbm>>
        %dma_wait3A_777 = arith.constant 0 : i32
        %dma_wait3A_778 = arith.constant 0 : i32
        %dma_wait3A_779 = tpu.memref_slice %arg4[%dma_wait3A_769, %dma_wait3A_777, %dma_wait3A_778] : memref<16384x20x64xf32, #tpu.memory_space<hbm>> -> memref<1x20x64xf32, #tpu.memory_space<hbm>>
        %dma_wait3A_780 = tpu.memref_squeeze %dma_wait3A_779 : memref<1x20x64xf32, #tpu.memory_space<hbm>> -> memref<20x64xf32, #tpu.memory_space<hbm>>
        %dma_wait3A_781 = arith.constant 120 : i32
        %dma_wait3A_782 = arith.constant 0 : i32
        %dma_wait3A_783 = tpu.memref_slice %arg7[%dma_wait3A_781, %dma_wait3A_782] : memref<320x64xf32, #tpu.memory_space<vmem>> -> memref<20x64xf32, #tpu.memory_space<vmem>>
        tpu.wait_dma2 semaphore(%arg13 : memref<!tpu.dma_semaphore, #tpu.memory_space<semaphore_mem>>) src(%dma_wait3A_783 : memref<20x64xf32, #tpu.memory_space<vmem>>) dst(%dma_wait3A_780 : memref<20x64xf32, #tpu.memory_space<hbm>>)
        %dma_wait3A_784 = arith.constant 0 : i32
        %dma_wait3A_785 = arith.constant 140 : i32
        %dma_wait3A_786 = arith.constant 0 : i32
        %dma_wait3A_787 = tpu.memref_slice %arg7[%dma_wait3A_785, %dma_wait3A_786] : memref<320x64xf32, #tpu.memory_space<vmem>> -> memref<20x64xf32, #tpu.memory_space<vmem>>
        %dma_wait3A_788 = arith.constant 0 : i32
        %dma_wait3A_789 = arith.constant 0 : i32
        %dma_wait3A_790 = tpu.memref_slice %arg4[%dma_wait3A_784, %dma_wait3A_788, %dma_wait3A_789] : memref<16384x20x64xf32, #tpu.memory_space<hbm>> -> memref<1x20x64xf32, #tpu.memory_space<hbm>>
        %dma_wait3A_791 = tpu.memref_squeeze %dma_wait3A_790 : memref<1x20x64xf32, #tpu.memory_space<hbm>> -> memref<20x64xf32, #tpu.memory_space<hbm>>
        %dma_wait3A_792 = arith.constant 0 : i32
        %dma_wait3A_793 = arith.constant 0 : i32
        %dma_wait3A_794 = tpu.memref_slice %arg4[%dma_wait3A_784, %dma_wait3A_792, %dma_wait3A_793] : memref<16384x20x64xf32, #tpu.memory_space<hbm>> -> memref<1x20x64xf32, #tpu.memory_space<hbm>>
        %dma_wait3A_795 = tpu.memref_squeeze %dma_wait3A_794 : memref<1x20x64xf32, #tpu.memory_space<hbm>> -> memref<20x64xf32, #tpu.memory_space<hbm>>
        %dma_wait3A_796 = arith.constant 140 : i32
        %dma_wait3A_797 = arith.constant 0 : i32
        %dma_wait3A_798 = tpu.memref_slice %arg7[%dma_wait3A_796, %dma_wait3A_797] : memref<320x64xf32, #tpu.memory_space<vmem>> -> memref<20x64xf32, #tpu.memory_space<vmem>>
        tpu.wait_dma2 semaphore(%arg13 : memref<!tpu.dma_semaphore, #tpu.memory_space<semaphore_mem>>) src(%dma_wait3A_798 : memref<20x64xf32, #tpu.memory_space<vmem>>) dst(%dma_wait3A_795 : memref<20x64xf32, #tpu.memory_space<hbm>>)
        %dma_wait3A_799 = arith.constant 0 : i32
        %dma_wait3A_800 = arith.constant 160 : i32
        %dma_wait3A_801 = arith.constant 0 : i32
        %dma_wait3A_802 = tpu.memref_slice %arg7[%dma_wait3A_800, %dma_wait3A_801] : memref<320x64xf32, #tpu.memory_space<vmem>> -> memref<20x64xf32, #tpu.memory_space<vmem>>
        %dma_wait3A_803 = arith.constant 0 : i32
        %dma_wait3A_804 = arith.constant 0 : i32
        %dma_wait3A_805 = tpu.memref_slice %arg4[%dma_wait3A_799, %dma_wait3A_803, %dma_wait3A_804] : memref<16384x20x64xf32, #tpu.memory_space<hbm>> -> memref<1x20x64xf32, #tpu.memory_space<hbm>>
        %dma_wait3A_806 = tpu.memref_squeeze %dma_wait3A_805 : memref<1x20x64xf32, #tpu.memory_space<hbm>> -> memref<20x64xf32, #tpu.memory_space<hbm>>
        %dma_wait3A_807 = arith.constant 0 : i32
        %dma_wait3A_808 = arith.constant 0 : i32
        %dma_wait3A_809 = tpu.memref_slice %arg4[%dma_wait3A_799, %dma_wait3A_807, %dma_wait3A_808] : memref<16384x20x64xf32, #tpu.memory_space<hbm>> -> memref<1x20x64xf32, #tpu.memory_space<hbm>>
        %dma_wait3A_810 = tpu.memref_squeeze %dma_wait3A_809 : memref<1x20x64xf32, #tpu.memory_space<hbm>> -> memref<20x64xf32, #tpu.memory_space<hbm>>
        %dma_wait3A_811 = arith.constant 160 : i32
        %dma_wait3A_812 = arith.constant 0 : i32
        %dma_wait3A_813 = tpu.memref_slice %arg7[%dma_wait3A_811, %dma_wait3A_812] : memref<320x64xf32, #tpu.memory_space<vmem>> -> memref<20x64xf32, #tpu.memory_space<vmem>>
        tpu.wait_dma2 semaphore(%arg13 : memref<!tpu.dma_semaphore, #tpu.memory_space<semaphore_mem>>) src(%dma_wait3A_813 : memref<20x64xf32, #tpu.memory_space<vmem>>) dst(%dma_wait3A_810 : memref<20x64xf32, #tpu.memory_space<hbm>>)
        %dma_wait3A_814 = arith.constant 0 : i32
        %dma_wait3A_815 = arith.constant 180 : i32
        %dma_wait3A_816 = arith.constant 0 : i32
        %dma_wait3A_817 = tpu.memref_slice %arg7[%dma_wait3A_815, %dma_wait3A_816] : memref<320x64xf32, #tpu.memory_space<vmem>> -> memref<20x64xf32, #tpu.memory_space<vmem>>
        %dma_wait3A_818 = arith.constant 0 : i32
        %dma_wait3A_819 = arith.constant 0 : i32
        %dma_wait3A_820 = tpu.memref_slice %arg4[%dma_wait3A_814, %dma_wait3A_818, %dma_wait3A_819] : memref<16384x20x64xf32, #tpu.memory_space<hbm>> -> memref<1x20x64xf32, #tpu.memory_space<hbm>>
        %dma_wait3A_821 = tpu.memref_squeeze %dma_wait3A_820 : memref<1x20x64xf32, #tpu.memory_space<hbm>> -> memref<20x64xf32, #tpu.memory_space<hbm>>
        %dma_wait3A_822 = arith.constant 0 : i32
        %dma_wait3A_823 = arith.constant 0 : i32
        %dma_wait3A_824 = tpu.memref_slice %arg4[%dma_wait3A_814, %dma_wait3A_822, %dma_wait3A_823] : memref<16384x20x64xf32, #tpu.memory_space<hbm>> -> memref<1x20x64xf32, #tpu.memory_space<hbm>>
        %dma_wait3A_825 = tpu.memref_squeeze %dma_wait3A_824 : memref<1x20x64xf32, #tpu.memory_space<hbm>> -> memref<20x64xf32, #tpu.memory_space<hbm>>
        %dma_wait3A_826 = arith.constant 180 : i32
        %dma_wait3A_827 = arith.constant 0 : i32
        %dma_wait3A_828 = tpu.memref_slice %arg7[%dma_wait3A_826, %dma_wait3A_827] : memref<320x64xf32, #tpu.memory_space<vmem>> -> memref<20x64xf32, #tpu.memory_space<vmem>>
        tpu.wait_dma2 semaphore(%arg13 : memref<!tpu.dma_semaphore, #tpu.memory_space<semaphore_mem>>) src(%dma_wait3A_828 : memref<20x64xf32, #tpu.memory_space<vmem>>) dst(%dma_wait3A_825 : memref<20x64xf32, #tpu.memory_space<hbm>>)
        %dma_wait3A_829 = arith.constant 0 : i32
        %dma_wait3A_830 = arith.constant 200 : i32
        %dma_wait3A_831 = arith.constant 0 : i32
        %dma_wait3A_832 = tpu.memref_slice %arg7[%dma_wait3A_830, %dma_wait3A_831] : memref<320x64xf32, #tpu.memory_space<vmem>> -> memref<20x64xf32, #tpu.memory_space<vmem>>
        %dma_wait3A_833 = arith.constant 0 : i32
        %dma_wait3A_834 = arith.constant 0 : i32
        %dma_wait3A_835 = tpu.memref_slice %arg4[%dma_wait3A_829, %dma_wait3A_833, %dma_wait3A_834] : memref<16384x20x64xf32, #tpu.memory_space<hbm>> -> memref<1x20x64xf32, #tpu.memory_space<hbm>>
        %dma_wait3A_836 = tpu.memref_squeeze %dma_wait3A_835 : memref<1x20x64xf32, #tpu.memory_space<hbm>> -> memref<20x64xf32, #tpu.memory_space<hbm>>
        %dma_wait3A_837 = arith.constant 0 : i32
        %dma_wait3A_838 = arith.constant 0 : i32
        %dma_wait3A_839 = tpu.memref_slice %arg4[%dma_wait3A_829, %dma_wait3A_837, %dma_wait3A_838] : memref<16384x20x64xf32, #tpu.memory_space<hbm>> -> memref<1x20x64xf32, #tpu.memory_space<hbm>>
        %dma_wait3A_840 = tpu.memref_squeeze %dma_wait3A_839 : memref<1x20x64xf32, #tpu.memory_space<hbm>> -> memref<20x64xf32, #tpu.memory_space<hbm>>
        %dma_wait3A_841 = arith.constant 200 : i32
        %dma_wait3A_842 = arith.constant 0 : i32
        %dma_wait3A_843 = tpu.memref_slice %arg7[%dma_wait3A_841, %dma_wait3A_842] : memref<320x64xf32, #tpu.memory_space<vmem>> -> memref<20x64xf32, #tpu.memory_space<vmem>>
        tpu.wait_dma2 semaphore(%arg13 : memref<!tpu.dma_semaphore, #tpu.memory_space<semaphore_mem>>) src(%dma_wait3A_843 : memref<20x64xf32, #tpu.memory_space<vmem>>) dst(%dma_wait3A_840 : memref<20x64xf32, #tpu.memory_space<hbm>>)
        %dma_wait3A_844 = arith.constant 0 : i32
        %dma_wait3A_845 = arith.constant 220 : i32
        %dma_wait3A_846 = arith.constant 0 : i32
        %dma_wait3A_847 = tpu.memref_slice %arg7[%dma_wait3A_845, %dma_wait3A_846] : memref<320x64xf32, #tpu.memory_space<vmem>> -> memref<20x64xf32, #tpu.memory_space<vmem>>
        %dma_wait3A_848 = arith.constant 0 : i32
        %dma_wait3A_849 = arith.constant 0 : i32
        %dma_wait3A_850 = tpu.memref_slice %arg4[%dma_wait3A_844, %dma_wait3A_848, %dma_wait3A_849] : memref<16384x20x64xf32, #tpu.memory_space<hbm>> -> memref<1x20x64xf32, #tpu.memory_space<hbm>>
        %dma_wait3A_851 = tpu.memref_squeeze %dma_wait3A_850 : memref<1x20x64xf32, #tpu.memory_space<hbm>> -> memref<20x64xf32, #tpu.memory_space<hbm>>
        %dma_wait3A_852 = arith.constant 0 : i32
        %dma_wait3A_853 = arith.constant 0 : i32
        %dma_wait3A_854 = tpu.memref_slice %arg4[%dma_wait3A_844, %dma_wait3A_852, %dma_wait3A_853] : memref<16384x20x64xf32, #tpu.memory_space<hbm>> -> memref<1x20x64xf32, #tpu.memory_space<hbm>>
        %dma_wait3A_855 = tpu.memref_squeeze %dma_wait3A_854 : memref<1x20x64xf32, #tpu.memory_space<hbm>> -> memref<20x64xf32, #tpu.memory_space<hbm>>
        %dma_wait3A_856 = arith.constant 220 : i32
        %dma_wait3A_857 = arith.constant 0 : i32
        %dma_wait3A_858 = tpu.memref_slice %arg7[%dma_wait3A_856, %dma_wait3A_857] : memref<320x64xf32, #tpu.memory_space<vmem>> -> memref<20x64xf32, #tpu.memory_space<vmem>>
        tpu.wait_dma2 semaphore(%arg13 : memref<!tpu.dma_semaphore, #tpu.memory_space<semaphore_mem>>) src(%dma_wait3A_858 : memref<20x64xf32, #tpu.memory_space<vmem>>) dst(%dma_wait3A_855 : memref<20x64xf32, #tpu.memory_space<hbm>>)
        %dma_wait3A_859 = arith.constant 0 : i32
        %dma_wait3A_860 = arith.constant 240 : i32
        %dma_wait3A_861 = arith.constant 0 : i32
        %dma_wait3A_862 = tpu.memref_slice %arg7[%dma_wait3A_860, %dma_wait3A_861] : memref<320x64xf32, #tpu.memory_space<vmem>> -> memref<20x64xf32, #tpu.memory_space<vmem>>
        %dma_wait3A_863 = arith.constant 0 : i32
        %dma_wait3A_864 = arith.constant 0 : i32
        %dma_wait3A_865 = tpu.memref_slice %arg4[%dma_wait3A_859, %dma_wait3A_863, %dma_wait3A_864] : memref<16384x20x64xf32, #tpu.memory_space<hbm>> -> memref<1x20x64xf32, #tpu.memory_space<hbm>>
        %dma_wait3A_866 = tpu.memref_squeeze %dma_wait3A_865 : memref<1x20x64xf32, #tpu.memory_space<hbm>> -> memref<20x64xf32, #tpu.memory_space<hbm>>
        %dma_wait3A_867 = arith.constant 0 : i32
        %dma_wait3A_868 = arith.constant 0 : i32
        %dma_wait3A_869 = tpu.memref_slice %arg4[%dma_wait3A_859, %dma_wait3A_867, %dma_wait3A_868] : memref<16384x20x64xf32, #tpu.memory_space<hbm>> -> memref<1x20x64xf32, #tpu.memory_space<hbm>>
        %dma_wait3A_870 = tpu.memref_squeeze %dma_wait3A_869 : memref<1x20x64xf32, #tpu.memory_space<hbm>> -> memref<20x64xf32, #tpu.memory_space<hbm>>
        %dma_wait3A_871 = arith.constant 240 : i32
        %dma_wait3A_872 = arith.constant 0 : i32
        %dma_wait3A_873 = tpu.memref_slice %arg7[%dma_wait3A_871, %dma_wait3A_872] : memref<320x64xf32, #tpu.memory_space<vmem>> -> memref<20x64xf32, #tpu.memory_space<vmem>>
        tpu.wait_dma2 semaphore(%arg13 : memref<!tpu.dma_semaphore, #tpu.memory_space<semaphore_mem>>) src(%dma_wait3A_873 : memref<20x64xf32, #tpu.memory_space<vmem>>) dst(%dma_wait3A_870 : memref<20x64xf32, #tpu.memory_space<hbm>>)
        %dma_wait3A_874 = arith.constant 0 : i32
        %dma_wait3A_875 = arith.constant 260 : i32
        %dma_wait3A_876 = arith.constant 0 : i32
        %dma_wait3A_877 = tpu.memref_slice %arg7[%dma_wait3A_875, %dma_wait3A_876] : memref<320x64xf32, #tpu.memory_space<vmem>> -> memref<20x64xf32, #tpu.memory_space<vmem>>
        %dma_wait3A_878 = arith.constant 0 : i32
        %dma_wait3A_879 = arith.constant 0 : i32
        %dma_wait3A_880 = tpu.memref_slice %arg4[%dma_wait3A_874, %dma_wait3A_878, %dma_wait3A_879] : memref<16384x20x64xf32, #tpu.memory_space<hbm>> -> memref<1x20x64xf32, #tpu.memory_space<hbm>>
        %dma_wait3A_881 = tpu.memref_squeeze %dma_wait3A_880 : memref<1x20x64xf32, #tpu.memory_space<hbm>> -> memref<20x64xf32, #tpu.memory_space<hbm>>
        %dma_wait3A_882 = arith.constant 0 : i32
        %dma_wait3A_883 = arith.constant 0 : i32
        %dma_wait3A_884 = tpu.memref_slice %arg4[%dma_wait3A_874, %dma_wait3A_882, %dma_wait3A_883] : memref<16384x20x64xf32, #tpu.memory_space<hbm>> -> memref<1x20x64xf32, #tpu.memory_space<hbm>>
        %dma_wait3A_885 = tpu.memref_squeeze %dma_wait3A_884 : memref<1x20x64xf32, #tpu.memory_space<hbm>> -> memref<20x64xf32, #tpu.memory_space<hbm>>
        %dma_wait3A_886 = arith.constant 260 : i32
        %dma_wait3A_887 = arith.constant 0 : i32
        %dma_wait3A_888 = tpu.memref_slice %arg7[%dma_wait3A_886, %dma_wait3A_887] : memref<320x64xf32, #tpu.memory_space<vmem>> -> memref<20x64xf32, #tpu.memory_space<vmem>>
        tpu.wait_dma2 semaphore(%arg13 : memref<!tpu.dma_semaphore, #tpu.memory_space<semaphore_mem>>) src(%dma_wait3A_888 : memref<20x64xf32, #tpu.memory_space<vmem>>) dst(%dma_wait3A_885 : memref<20x64xf32, #tpu.memory_space<hbm>>)
        %dma_wait3A_889 = arith.constant 0 : i32
        %dma_wait3A_890 = arith.constant 280 : i32
        %dma_wait3A_891 = arith.constant 0 : i32
        %dma_wait3A_892 = tpu.memref_slice %arg7[%dma_wait3A_890, %dma_wait3A_891] : memref<320x64xf32, #tpu.memory_space<vmem>> -> memref<20x64xf32, #tpu.memory_space<vmem>>
        %dma_wait3A_893 = arith.constant 0 : i32
        %dma_wait3A_894 = arith.constant 0 : i32
        %dma_wait3A_895 = tpu.memref_slice %arg4[%dma_wait3A_889, %dma_wait3A_893, %dma_wait3A_894] : memref<16384x20x64xf32, #tpu.memory_space<hbm>> -> memref<1x20x64xf32, #tpu.memory_space<hbm>>
        %dma_wait3A_896 = tpu.memref_squeeze %dma_wait3A_895 : memref<1x20x64xf32, #tpu.memory_space<hbm>> -> memref<20x64xf32, #tpu.memory_space<hbm>>
        %dma_wait3A_897 = arith.constant 0 : i32
        %dma_wait3A_898 = arith.constant 0 : i32
        %dma_wait3A_899 = tpu.memref_slice %arg4[%dma_wait3A_889, %dma_wait3A_897, %dma_wait3A_898] : memref<16384x20x64xf32, #tpu.memory_space<hbm>> -> memref<1x20x64xf32, #tpu.memory_space<hbm>>
        %dma_wait3A_900 = tpu.memref_squeeze %dma_wait3A_899 : memref<1x20x64xf32, #tpu.memory_space<hbm>> -> memref<20x64xf32, #tpu.memory_space<hbm>>
        %dma_wait3A_901 = arith.constant 280 : i32
        %dma_wait3A_902 = arith.constant 0 : i32
        %dma_wait3A_903 = tpu.memref_slice %arg7[%dma_wait3A_901, %dma_wait3A_902] : memref<320x64xf32, #tpu.memory_space<vmem>> -> memref<20x64xf32, #tpu.memory_space<vmem>>
        tpu.wait_dma2 semaphore(%arg13 : memref<!tpu.dma_semaphore, #tpu.memory_space<semaphore_mem>>) src(%dma_wait3A_903 : memref<20x64xf32, #tpu.memory_space<vmem>>) dst(%dma_wait3A_900 : memref<20x64xf32, #tpu.memory_space<hbm>>)
        %dma_wait3A_904 = arith.constant 0 : i32
        %dma_wait3A_905 = arith.constant 300 : i32
        %dma_wait3A_906 = arith.constant 0 : i32
        %dma_wait3A_907 = tpu.memref_slice %arg7[%dma_wait3A_905, %dma_wait3A_906] : memref<320x64xf32, #tpu.memory_space<vmem>> -> memref<20x64xf32, #tpu.memory_space<vmem>>
        %dma_wait3A_908 = arith.constant 0 : i32
        %dma_wait3A_909 = arith.constant 0 : i32
        %dma_wait3A_910 = tpu.memref_slice %arg4[%dma_wait3A_904, %dma_wait3A_908, %dma_wait3A_909] : memref<16384x20x64xf32, #tpu.memory_space<hbm>> -> memref<1x20x64xf32, #tpu.memory_space<hbm>>
        %dma_wait3A_911 = tpu.memref_squeeze %dma_wait3A_910 : memref<1x20x64xf32, #tpu.memory_space<hbm>> -> memref<20x64xf32, #tpu.memory_space<hbm>>
        %dma_wait3A_912 = arith.constant 0 : i32
        %dma_wait3A_913 = arith.constant 0 : i32
        %dma_wait3A_914 = tpu.memref_slice %arg4[%dma_wait3A_904, %dma_wait3A_912, %dma_wait3A_913] : memref<16384x20x64xf32, #tpu.memory_space<hbm>> -> memref<1x20x64xf32, #tpu.memory_space<hbm>>
        %dma_wait3A_915 = tpu.memref_squeeze %dma_wait3A_914 : memref<1x20x64xf32, #tpu.memory_space<hbm>> -> memref<20x64xf32, #tpu.memory_space<hbm>>
        %dma_wait3A_916 = arith.constant 300 : i32
        %dma_wait3A_917 = arith.constant 0 : i32
        %dma_wait3A_918 = tpu.memref_slice %arg7[%dma_wait3A_916, %dma_wait3A_917] : memref<320x64xf32, #tpu.memory_space<vmem>> -> memref<20x64xf32, #tpu.memory_space<vmem>>
        tpu.wait_dma2 semaphore(%arg13 : memref<!tpu.dma_semaphore, #tpu.memory_space<semaphore_mem>>) src(%dma_wait3A_918 : memref<20x64xf32, #tpu.memory_space<vmem>>) dst(%dma_wait3A_915 : memref<20x64xf32, #tpu.memory_space<hbm>>)
      } else {
      }
      %scan3A_317 = arith.constant 0 : i32
      %scan3A_318 = arith.constant 0 : i32
      %scan3A_319 = arith.constant 64 : i32
      %scan3A_320 = arith.addi %scan3A_318, %scan3A_319 : i32
      %scan3A_321 = arith.constant 1 : i32
      scf.for %scan3A_679 = %scan3A_318 to %scan3A_320 step %scan3A_321  : i32 {
        %get3A = arith.index_cast %scan3A_679 : i32 to index
        %get3A_680 = arith.constant 0 : index
        %get3A_681 = tpu.vector_load %arg6[%get3A, %get3A_680] {strides = array<i32>} : memref<320x128xf32, #tpu.memory_space<vmem>>, vector<1x16xf32>,
        %get3A_682 = vector.shape_cast %get3A_681 : vector<1x16xf32> to vector<16xf32>
        %swap3A = arith.index_cast %scan3A_679 : i32 to index
        %swap3A_683 = arith.constant 0 : index
        %swap3A_684 = tpu.vector_load %arg7[%swap3A, %swap3A_683] {strides = array<i32>} : memref<320x64xf32, #tpu.memory_space<vmem>>, vector<1x16xf32>,
        %swap3A_685 = vector.shape_cast %swap3A_684 : vector<1x16xf32> to vector<16xf32>
        %swap3A_686 = vector.shape_cast %get3A_682 : vector<16xf32> to vector<1x16xf32>
        tpu.vector_store %arg7[%swap3A, %swap3A_683], %swap3A_686 {strides = array<i32>} : memref<320x64xf32, #tpu.memory_space<vmem>>, vector<1x16xf32>,
        %get3A_687 = arith.index_cast %scan3A_679 : i32 to index
        %get3A_688 = arith.constant 16 : index
        %get3A_689 = tpu.vector_load %arg6[%get3A_687, %get3A_688] {strides = array<i32>} : memref<320x128xf32, #tpu.memory_space<vmem>>, vector<1x16xf32>,
        %get3A_690 = vector.shape_cast %get3A_689 : vector<1x16xf32> to vector<16xf32>
        %swap3A_691 = arith.index_cast %scan3A_679 : i32 to index
        %swap3A_692 = arith.constant 16 : index
        %swap3A_693 = tpu.vector_load %arg7[%swap3A_691, %swap3A_692] {strides = array<i32>} : memref<320x64xf32, #tpu.memory_space<vmem>>, vector<1x16xf32>,
        %swap3A_694 = vector.shape_cast %swap3A_693 : vector<1x16xf32> to vector<16xf32>
        %swap3A_695 = vector.shape_cast %get3A_690 : vector<16xf32> to vector<1x16xf32>
        tpu.vector_store %arg7[%swap3A_691, %swap3A_692], %swap3A_695 {strides = array<i32>} : memref<320x64xf32, #tpu.memory_space<vmem>>, vector<1x16xf32>,
        %get3A_696 = arith.index_cast %scan3A_679 : i32 to index
        %get3A_697 = arith.constant 32 : index
        %get3A_698 = tpu.vector_load %arg6[%get3A_696, %get3A_697] {strides = array<i32>} : memref<320x128xf32, #tpu.memory_space<vmem>>, vector<1x16xf32>,
        %get3A_699 = vector.shape_cast %get3A_698 : vector<1x16xf32> to vector<16xf32>
        %swap3A_700 = arith.index_cast %scan3A_679 : i32 to index
        %swap3A_701 = arith.constant 32 : index
        %swap3A_702 = tpu.vector_load %arg7[%swap3A_700, %swap3A_701] {strides = array<i32>} : memref<320x64xf32, #tpu.memory_space<vmem>>, vector<1x16xf32>,
        %swap3A_703 = vector.shape_cast %swap3A_702 : vector<1x16xf32> to vector<16xf32>
        %swap3A_704 = vector.shape_cast %get3A_699 : vector<16xf32> to vector<1x16xf32>
        tpu.vector_store %arg7[%swap3A_700, %swap3A_701], %swap3A_704 {strides = array<i32>} : memref<320x64xf32, #tpu.memory_space<vmem>>, vector<1x16xf32>,
        %get3A_705 = arith.index_cast %scan3A_679 : i32 to index
        %get3A_706 = arith.constant 48 : index
        %get3A_707 = tpu.vector_load %arg6[%get3A_705, %get3A_706] {strides = array<i32>} : memref<320x128xf32, #tpu.memory_space<vmem>>, vector<1x16xf32>,
        %get3A_708 = vector.shape_cast %get3A_707 : vector<1x16xf32> to vector<16xf32>
        %swap3A_709 = arith.index_cast %scan3A_679 : i32 to index
        %swap3A_710 = arith.constant 48 : index
        %swap3A_711 = tpu.vector_load %arg7[%swap3A_709, %swap3A_710] {strides = array<i32>} : memref<320x64xf32, #tpu.memory_space<vmem>>, vector<1x16xf32>,
        %swap3A_712 = vector.shape_cast %swap3A_711 : vector<1x16xf32> to vector<16xf32>
        %swap3A_713 = vector.shape_cast %get3A_708 : vector<16xf32> to vector<1x16xf32>
        tpu.vector_store %arg7[%swap3A_709, %swap3A_710], %swap3A_713 {strides = array<i32>} : memref<320x64xf32, #tpu.memory_space<vmem>>, vector<1x16xf32>,
      }
      %scan3A_322 = arith.constant 64 : i32
      %lt3A = arith.constant 31 : i32
      %lt3A_323 = arith.cmpi slt, %scan3A_298, %lt3A : i32
      %convert_element_type3A_324 = arith.extui %lt3A_323 : i1 to i32
      %cond3A_325 = arith.constant 0 : i32
      %cond3A_326 = arith.cmpi ne, %convert_element_type3A_324, %cond3A_325 : i32
      scf.if %cond3A_326 {
        %add3A_679 = arith.constant 1 : i32
        %add3A_680 = arith.addi %scan3A_298, %add3A_679 : i32
        %mul3A_681 = arith.constant 5 : i32
        %mul3A_682 = arith.muli %add3A_680, %mul3A_681 : i32
        %add3A_683 = arith.constant 0 : i32
        %add3A_684 = arith.addi %mul3A_682, %add3A_683 : i32
        %dma_start3A_685 = arith.constant 0 : i32
        %dma_start3A_686 = arith.constant 0 : i32
        %dma_start3A_687 = tpu.memref_slice %arg6[%dma_start3A_685, %dma_start3A_686] : memref<320x128xf32, #tpu.memory_space<vmem>> -> memref<64x128xf32, #tpu.memory_space<vmem>>
        %dma_start3A_688 = arith.constant 0 : i32
        %dma_start3A_689 = tpu.memref_slice %arg5[%add3A_684, %dma_start3A_688] : memref<160x64xi32, #tpu.memory_space<vmem>> -> memref<1x64xi32, #tpu.memory_space<vmem>>
        %dma_start3A_690 = tpu.memref_squeeze %dma_start3A_689 : memref<1x64xi32, #tpu.memory_space<vmem>> -> memref<64xi32, #tpu.memory_space<vmem>>
        %dma_start3A_691 = arith.constant 0 : i32
        %dma_start3A_692 = arith.constant 0 : i32
        %dma_start3A_693 = tpu.memref_slice %arg3[%dma_start3A_691, %dma_start3A_692] : memref<1000000x128xf32, #tpu.memory_space<hbm>> -> memref<1000000x128xf32, #tpu.memory_space<hbm>>
        tpu.enqueue_indirect_dma source(%dma_start3A_693 : memref<1000000x128xf32, #tpu.memory_space<hbm>>) target(%dma_start3A_687 : memref<64x128xf32, #tpu.memory_space<vmem>>) offsets(%dma_start3A_690 : memref<64xi32, #tpu.memory_space<vmem>>) semaphore(%arg8 : memref<!tpu.dma_semaphore, #tpu.memory_space<semaphore_mem>>)
      } else {
      }
      %add3A_327 = arith.constant 0 : i32
      %add3A_328 = arith.addi %add3A_301, %add3A_327 : i32
      %dma_start3A_329 = arith.constant 0 : i32
      %dma_start3A_330 = arith.constant 0 : i32
      %dma_start3A_331 = tpu.memref_slice %arg7[%dma_start3A_329, %dma_start3A_330] : memref<320x64xf32, #tpu.memory_space<vmem>> -> memref<20x64xf32, #tpu.memory_space<vmem>>
      %dma_start3A_332 = arith.constant 0 : i32
      %dma_start3A_333 = arith.constant 0 : i32
      %dma_start3A_334 = tpu.memref_slice %arg4[%add3A_328, %dma_start3A_332, %dma_start3A_333] : memref<16384x20x64xf32, #tpu.memory_space<hbm>> -> memref<1x20x64xf32, #tpu.memory_space<hbm>>
      %dma_start3A_335 = tpu.memref_squeeze %dma_start3A_334 : memref<1x20x64xf32, #tpu.memory_space<hbm>> -> memref<20x64xf32, #tpu.memory_space<hbm>>
      %dma_start3A_336 = arith.constant 0 : i32
      %dma_start3A_337 = arith.constant 0 : i32
      %dma_start3A_338 = tpu.memref_slice %arg4[%add3A_328, %dma_start3A_336, %dma_start3A_337] : memref<16384x20x64xf32, #tpu.memory_space<hbm>> -> memref<1x20x64xf32, #tpu.memory_space<hbm>>
      %dma_start3A_339 = tpu.memref_squeeze %dma_start3A_338 : memref<1x20x64xf32, #tpu.memory_space<hbm>> -> memref<20x64xf32, #tpu.memory_space<hbm>>
      %dma_start3A_340 = arith.constant 0 : i32
      %dma_start3A_341 = arith.constant 0 : i32
      %dma_start3A_342 = tpu.memref_slice %arg7[%dma_start3A_340, %dma_start3A_341] : memref<320x64xf32, #tpu.memory_space<vmem>> -> memref<20x64xf32, #tpu.memory_space<vmem>>
      tpu.enqueue_dma source(%dma_start3A_342 : memref<20x64xf32, #tpu.memory_space<vmem>>) target(%dma_start3A_339 : memref<20x64xf32, #tpu.memory_space<hbm>>) target_semaphore(%arg13 : memref<!tpu.dma_semaphore, #tpu.memory_space<semaphore_mem>>)
      %add3A_343 = arith.constant 1 : i32
      %add3A_344 = arith.addi %add3A_301, %add3A_343 : i32
      %dma_start3A_345 = arith.constant 20 : i32
      %dma_start3A_346 = arith.constant 0 : i32
      %dma_start3A_347 = tpu.memref_slice %arg7[%dma_start3A_345, %dma_start3A_346] : memref<320x64xf32, #tpu.memory_space<vmem>> -> memref<20x64xf32, #tpu.memory_space<vmem>>
      %dma_start3A_348 = arith.constant 0 : i32
      %dma_start3A_349 = arith.constant 0 : i32
      %dma_start3A_350 = tpu.memref_slice %arg4[%add3A_344, %dma_start3A_348, %dma_start3A_349] : memref<16384x20x64xf32, #tpu.memory_space<hbm>> -> memref<1x20x64xf32, #tpu.memory_space<hbm>>
      %dma_start3A_351 = tpu.memref_squeeze %dma_start3A_350 : memref<1x20x64xf32, #tpu.memory_space<hbm>> -> memref<20x64xf32, #tpu.memory_space<hbm>>
      %dma_start3A_352 = arith.constant 0 : i32
      %dma_start3A_353 = arith.constant 0 : i32
      %dma_start3A_354 = tpu.memref_slice %arg4[%add3A_344, %dma_start3A_352, %dma_start3A_353] : memref<16384x20x64xf32, #tpu.memory_space<hbm>> -> memref<1x20x64xf32, #tpu.memory_space<hbm>>
      %dma_start3A_355 = tpu.memref_squeeze %dma_start3A_354 : memref<1x20x64xf32, #tpu.memory_space<hbm>> -> memref<20x64xf32, #tpu.memory_space<hbm>>
      %dma_start3A_356 = arith.constant 20 : i32
      %dma_start3A_357 = arith.constant 0 : i32
      %dma_start3A_358 = tpu.memref_slice %arg7[%dma_start3A_356, %dma_start3A_357] : memref<320x64xf32, #tpu.memory_space<vmem>> -> memref<20x64xf32, #tpu.memory_space<vmem>>
      tpu.enqueue_dma source(%dma_start3A_358 : memref<20x64xf32, #tpu.memory_space<vmem>>) target(%dma_start3A_355 : memref<20x64xf32, #tpu.memory_space<hbm>>) target_semaphore(%arg13 : memref<!tpu.dma_semaphore, #tpu.memory_space<semaphore_mem>>)
      %add3A_359 = arith.constant 2 : i32
      %add3A_360 = arith.addi %add3A_301, %add3A_359 : i32
      %dma_start3A_361 = arith.constant 40 : i32
      %dma_start3A_362 = arith.constant 0 : i32
      %dma_start3A_363 = tpu.memref_slice %arg7[%dma_start3A_361, %dma_start3A_362] : memref<320x64xf32, #tpu.memory_space<vmem>> -> memref<20x64xf32, #tpu.memory_space<vmem>>
      %dma_start3A_364 = arith.constant 0 : i32
      %dma_start3A_365 = arith.constant 0 : i32
      %dma_start3A_366 = tpu.memref_slice %arg4[%add3A_360, %dma_start3A_364, %dma_start3A_365] : memref<16384x20x64xf32, #tpu.memory_space<hbm>> -> memref<1x20x64xf32, #tpu.memory_space<hbm>>
      %dma_start3A_367 = tpu.memref_squeeze %dma_start3A_366 : memref<1x20x64xf32, #tpu.memory_space<hbm>> -> memref<20x64xf32, #tpu.memory_space<hbm>>
      %dma_start3A_368 = arith.constant 0 : i32
      %dma_start3A_369 = arith.constant 0 : i32
      %dma_start3A_370 = tpu.memref_slice %arg4[%add3A_360, %dma_start3A_368, %dma_start3A_369] : memref<16384x20x64xf32, #tpu.memory_space<hbm>> -> memref<1x20x64xf32, #tpu.memory_space<hbm>>
      %dma_start3A_371 = tpu.memref_squeeze %dma_start3A_370 : memref<1x20x64xf32, #tpu.memory_space<hbm>> -> memref<20x64xf32, #tpu.memory_space<hbm>>
      %dma_start3A_372 = arith.constant 40 : i32
      %dma_start3A_373 = arith.constant 0 : i32
      %dma_start3A_374 = tpu.memref_slice %arg7[%dma_start3A_372, %dma_start3A_373] : memref<320x64xf32, #tpu.memory_space<vmem>> -> memref<20x64xf32, #tpu.memory_space<vmem>>
      tpu.enqueue_dma source(%dma_start3A_374 : memref<20x64xf32, #tpu.memory_space<vmem>>) target(%dma_start3A_371 : memref<20x64xf32, #tpu.memory_space<hbm>>) target_semaphore(%arg13 : memref<!tpu.dma_semaphore, #tpu.memory_space<semaphore_mem>>)
      %mul3A_375 = arith.constant 5 : i32
      %mul3A_376 = arith.muli %scan3A_298, %mul3A_375 : i32
      %add3A_377 = arith.constant 1 : i32
      %add3A_378 = arith.addi %mul3A_376, %add3A_377 : i32
      %dma_wait3A_379 = arith.constant 64 : i32
      %dma_wait3A_380 = arith.constant 0 : i32
      %dma_wait3A_381 = tpu.memref_slice %arg6[%dma_wait3A_379, %dma_wait3A_380] : memref<320x128xf32, #tpu.memory_space<vmem>> -> memref<64x128xf32, #tpu.memory_space<vmem>>
      %dma_wait3A_382 = arith.constant 0 : i32
      %dma_wait3A_383 = tpu.memref_slice %arg5[%add3A_378, %dma_wait3A_382] : memref<160x64xi32, #tpu.memory_space<vmem>> -> memref<1x64xi32, #tpu.memory_space<vmem>>
      %dma_wait3A_384 = tpu.memref_squeeze %dma_wait3A_383 : memref<1x64xi32, #tpu.memory_space<vmem>> -> memref<64xi32, #tpu.memory_space<vmem>>
      %dma_wait3A_385 = arith.constant 0 : i32
      %dma_wait3A_386 = arith.constant 0 : i32
      %dma_wait3A_387 = tpu.memref_slice %arg3[%dma_wait3A_385, %dma_wait3A_386] : memref<1000000x128xf32, #tpu.memory_space<hbm>> -> memref<1000000x128xf32, #tpu.memory_space<hbm>>
      tpu.wait_indirect_dma semaphore(%arg9 : memref<!tpu.dma_semaphore, #tpu.memory_space<semaphore_mem>>) src(%dma_wait3A_387 : memref<1000000x128xf32, #tpu.memory_space<hbm>>) dst(%dma_wait3A_381 : memref<64x128xf32, #tpu.memory_space<vmem>>)
      %scan3A_388 = arith.constant 0 : i32
      %scan3A_389 = arith.constant 64 : i32
      %scan3A_390 = arith.constant 64 : i32
      %scan3A_391 = arith.addi %scan3A_389, %scan3A_390 : i32
      %scan3A_392 = arith.constant 1 : i32
      scf.for %scan3A_679 = %scan3A_389 to %scan3A_391 step %scan3A_392  : i32 {
        %get3A = arith.index_cast %scan3A_679 : i32 to index
        %get3A_680 = arith.constant 0 : index
        %get3A_681 = tpu.vector_load %arg6[%get3A, %get3A_680] {strides = array<i32>} : memref<320x128xf32, #tpu.memory_space<vmem>>, vector<1x16xf32>,
        %get3A_682 = vector.shape_cast %get3A_681 : vector<1x16xf32> to vector<16xf32>
        %swap3A = arith.index_cast %scan3A_679 : i32 to index
        %swap3A_683 = arith.constant 0 : index
        %swap3A_684 = tpu.vector_load %arg7[%swap3A, %swap3A_683] {strides = array<i32>} : memref<320x64xf32, #tpu.memory_space<vmem>>, vector<1x16xf32>,
        %swap3A_685 = vector.shape_cast %swap3A_684 : vector<1x16xf32> to vector<16xf32>
        %swap3A_686 = vector.shape_cast %get3A_682 : vector<16xf32> to vector<1x16xf32>
        tpu.vector_store %arg7[%swap3A, %swap3A_683], %swap3A_686 {strides = array<i32>} : memref<320x64xf32, #tpu.memory_space<vmem>>, vector<1x16xf32>,
        %get3A_687 = arith.index_cast %scan3A_679 : i32 to index
        %get3A_688 = arith.constant 16 : index
        %get3A_689 = tpu.vector_load %arg6[%get3A_687, %get3A_688] {strides = array<i32>} : memref<320x128xf32, #tpu.memory_space<vmem>>, vector<1x16xf32>,
        %get3A_690 = vector.shape_cast %get3A_689 : vector<1x16xf32> to vector<16xf32>
        %swap3A_691 = arith.index_cast %scan3A_679 : i32 to index
        %swap3A_692 = arith.constant 16 : index
        %swap3A_693 = tpu.vector_load %arg7[%swap3A_691, %swap3A_692] {strides = array<i32>} : memref<320x64xf32, #tpu.memory_space<vmem>>, vector<1x16xf32>,
        %swap3A_694 = vector.shape_cast %swap3A_693 : vector<1x16xf32> to vector<16xf32>
        %swap3A_695 = vector.shape_cast %get3A_690 : vector<16xf32> to vector<1x16xf32>
        tpu.vector_store %arg7[%swap3A_691, %swap3A_692], %swap3A_695 {strides = array<i32>} : memref<320x64xf32, #tpu.memory_space<vmem>>, vector<1x16xf32>,
        %get3A_696 = arith.index_cast %scan3A_679 : i32 to index
        %get3A_697 = arith.constant 32 : index
        %get3A_698 = tpu.vector_load %arg6[%get3A_696, %get3A_697] {strides = array<i32>} : memref<320x128xf32, #tpu.memory_space<vmem>>, vector<1x16xf32>,
        %get3A_699 = vector.shape_cast %get3A_698 : vector<1x16xf32> to vector<16xf32>
        %swap3A_700 = arith.index_cast %scan3A_679 : i32 to index
        %swap3A_701 = arith.constant 32 : index
        %swap3A_702 = tpu.vector_load %arg7[%swap3A_700, %swap3A_701] {strides = array<i32>} : memref<320x64xf32, #tpu.memory_space<vmem>>, vector<1x16xf32>,
        %swap3A_703 = vector.shape_cast %swap3A_702 : vector<1x16xf32> to vector<16xf32>
        %swap3A_704 = vector.shape_cast %get3A_699 : vector<16xf32> to vector<1x16xf32>
        tpu.vector_store %arg7[%swap3A_700, %swap3A_701], %swap3A_704 {strides = array<i32>} : memref<320x64xf32, #tpu.memory_space<vmem>>, vector<1x16xf32>,
        %get3A_705 = arith.index_cast %scan3A_679 : i32 to index
        %get3A_706 = arith.constant 48 : index
        %get3A_707 = tpu.vector_load %arg6[%get3A_705, %get3A_706] {strides = array<i32>} : memref<320x128xf32, #tpu.memory_space<vmem>>, vector<1x16xf32>,
        %get3A_708 = vector.shape_cast %get3A_707 : vector<1x16xf32> to vector<16xf32>
        %swap3A_709 = arith.index_cast %scan3A_679 : i32 to index
        %swap3A_710 = arith.constant 48 : index
        %swap3A_711 = tpu.vector_load %arg7[%swap3A_709, %swap3A_710] {strides = array<i32>} : memref<320x64xf32, #tpu.memory_space<vmem>>, vector<1x16xf32>,
        %swap3A_712 = vector.shape_cast %swap3A_711 : vector<1x16xf32> to vector<16xf32>
        %swap3A_713 = vector.shape_cast %get3A_708 : vector<16xf32> to vector<1x16xf32>
        tpu.vector_store %arg7[%swap3A_709, %swap3A_710], %swap3A_713 {strides = array<i32>} : memref<320x64xf32, #tpu.memory_space<vmem>>, vector<1x16xf32>,
      }
      %scan3A_393 = arith.constant 64 : i32
      %lt3A_394 = arith.constant 31 : i32
      %lt3A_395 = arith.cmpi slt, %scan3A_298, %lt3A_394 : i32
      %convert_element_type3A_396 = arith.extui %lt3A_395 : i1 to i32
      %cond3A_397 = arith.constant 0 : i32
      %cond3A_398 = arith.cmpi ne, %convert_element_type3A_396, %cond3A_397 : i32
      scf.if %cond3A_398 {
        %add3A_679 = arith.constant 1 : i32
        %add3A_680 = arith.addi %scan3A_298, %add3A_679 : i32
        %mul3A_681 = arith.constant 5 : i32
        %mul3A_682 = arith.muli %add3A_680, %mul3A_681 : i32
        %add3A_683 = arith.constant 1 : i32
        %add3A_684 = arith.addi %mul3A_682, %add3A_683 : i32
        %dma_start3A_685 = arith.constant 64 : i32
        %dma_start3A_686 = arith.constant 0 : i32
        %dma_start3A_687 = tpu.memref_slice %arg6[%dma_start3A_685, %dma_start3A_686] : memref<320x128xf32, #tpu.memory_space<vmem>> -> memref<64x128xf32, #tpu.memory_space<vmem>>
        %dma_start3A_688 = arith.constant 0 : i32
        %dma_start3A_689 = tpu.memref_slice %arg5[%add3A_684, %dma_start3A_688] : memref<160x64xi32, #tpu.memory_space<vmem>> -> memref<1x64xi32, #tpu.memory_space<vmem>>
        %dma_start3A_690 = tpu.memref_squeeze %dma_start3A_689 : memref<1x64xi32, #tpu.memory_space<vmem>> -> memref<64xi32, #tpu.memory_space<vmem>>
        %dma_start3A_691 = arith.constant 0 : i32
        %dma_start3A_692 = arith.constant 0 : i32
        %dma_start3A_693 = tpu.memref_slice %arg3[%dma_start3A_691, %dma_start3A_692] : memref<1000000x128xf32, #tpu.memory_space<hbm>> -> memref<1000000x128xf32, #tpu.memory_space<hbm>>
        tpu.enqueue_indirect_dma source(%dma_start3A_693 : memref<1000000x128xf32, #tpu.memory_space<hbm>>) target(%dma_start3A_687 : memref<64x128xf32, #tpu.memory_space<vmem>>) offsets(%dma_start3A_690 : memref<64xi32, #tpu.memory_space<vmem>>) semaphore(%arg9 : memref<!tpu.dma_semaphore, #tpu.memory_space<semaphore_mem>>)
      } else {
      }
      %add3A_399 = arith.constant 3 : i32
      %add3A_400 = arith.addi %add3A_301, %add3A_399 : i32
      %dma_start3A_401 = arith.constant 60 : i32
      %dma_start3A_402 = arith.constant 0 : i32
      %dma_start3A_403 = tpu.memref_slice %arg7[%dma_start3A_401, %dma_start3A_402] : memref<320x64xf32, #tpu.memory_space<vmem>> -> memref<20x64xf32, #tpu.memory_space<vmem>>
      %dma_start3A_404 = arith.constant 0 : i32
      %dma_start3A_405 = arith.constant 0 : i32
      %dma_start3A_406 = tpu.memref_slice %arg4[%add3A_400, %dma_start3A_404, %dma_start3A_405] : memref<16384x20x64xf32, #tpu.memory_space<hbm>> -> memref<1x20x64xf32, #tpu.memory_space<hbm>>
      %dma_start3A_407 = tpu.memref_squeeze %dma_start3A_406 : memref<1x20x64xf32, #tpu.memory_space<hbm>> -> memref<20x64xf32, #tpu.memory_space<hbm>>
      %dma_start3A_408 = arith.constant 0 : i32
      %dma_start3A_409 = arith.constant 0 : i32
      %dma_start3A_410 = tpu.memref_slice %arg4[%add3A_400, %dma_start3A_408, %dma_start3A_409] : memref<16384x20x64xf32, #tpu.memory_space<hbm>> -> memref<1x20x64xf32, #tpu.memory_space<hbm>>
      %dma_start3A_411 = tpu.memref_squeeze %dma_start3A_410 : memref<1x20x64xf32, #tpu.memory_space<hbm>> -> memref<20x64xf32, #tpu.memory_space<hbm>>
      %dma_start3A_412 = arith.constant 60 : i32
      %dma_start3A_413 = arith.constant 0 : i32
      %dma_start3A_414 = tpu.memref_slice %arg7[%dma_start3A_412, %dma_start3A_413] : memref<320x64xf32, #tpu.memory_space<vmem>> -> memref<20x64xf32, #tpu.memory_space<vmem>>
      tpu.enqueue_dma source(%dma_start3A_414 : memref<20x64xf32, #tpu.memory_space<vmem>>) target(%dma_start3A_411 : memref<20x64xf32, #tpu.memory_space<hbm>>) target_semaphore(%arg13 : memref<!tpu.dma_semaphore, #tpu.memory_space<semaphore_mem>>)
      %add3A_415 = arith.constant 4 : i32
      %add3A_416 = arith.addi %add3A_301, %add3A_415 : i32
      %dma_start3A_417 = arith.constant 80 : i32
      %dma_start3A_418 = arith.constant 0 : i32
      %dma_start3A_419 = tpu.memref_slice %arg7[%dma_start3A_417, %dma_start3A_418] : memref<320x64xf32, #tpu.memory_space<vmem>> -> memref<20x64xf32, #tpu.memory_space<vmem>>
      %dma_start3A_420 = arith.constant 0 : i32
      %dma_start3A_421 = arith.constant 0 : i32
      %dma_start3A_422 = tpu.memref_slice %arg4[%add3A_416, %dma_start3A_420, %dma_start3A_421] : memref<16384x20x64xf32, #tpu.memory_space<hbm>> -> memref<1x20x64xf32, #tpu.memory_space<hbm>>
      %dma_start3A_423 = tpu.memref_squeeze %dma_start3A_422 : memref<1x20x64xf32, #tpu.memory_space<hbm>> -> memref<20x64xf32, #tpu.memory_space<hbm>>
      %dma_start3A_424 = arith.constant 0 : i32
      %dma_start3A_425 = arith.constant 0 : i32
      %dma_start3A_426 = tpu.memref_slice %arg4[%add3A_416, %dma_start3A_424, %dma_start3A_425] : memref<16384x20x64xf32, #tpu.memory_space<hbm>> -> memref<1x20x64xf32, #tpu.memory_space<hbm>>
      %dma_start3A_427 = tpu.memref_squeeze %dma_start3A_426 : memref<1x20x64xf32, #tpu.memory_space<hbm>> -> memref<20x64xf32, #tpu.memory_space<hbm>>
      %dma_start3A_428 = arith.constant 80 : i32
      %dma_start3A_429 = arith.constant 0 : i32
      %dma_start3A_430 = tpu.memref_slice %arg7[%dma_start3A_428, %dma_start3A_429] : memref<320x64xf32, #tpu.memory_space<vmem>> -> memref<20x64xf32, #tpu.memory_space<vmem>>
      tpu.enqueue_dma source(%dma_start3A_430 : memref<20x64xf32, #tpu.memory_space<vmem>>) target(%dma_start3A_427 : memref<20x64xf32, #tpu.memory_space<hbm>>) target_semaphore(%arg13 : memref<!tpu.dma_semaphore, #tpu.memory_space<semaphore_mem>>)
      %add3A_431 = arith.constant 5 : i32
      %add3A_432 = arith.addi %add3A_301, %add3A_431 : i32
      %dma_start3A_433 = arith.constant 100 : i32
      %dma_start3A_434 = arith.constant 0 : i32
      %dma_start3A_435 = tpu.memref_slice %arg7[%dma_start3A_433, %dma_start3A_434] : memref<320x64xf32, #tpu.memory_space<vmem>> -> memref<20x64xf32, #tpu.memory_space<vmem>>
      %dma_start3A_436 = arith.constant 0 : i32
      %dma_start3A_437 = arith.constant 0 : i32
      %dma_start3A_438 = tpu.memref_slice %arg4[%add3A_432, %dma_start3A_436, %dma_start3A_437] : memref<16384x20x64xf32, #tpu.memory_space<hbm>> -> memref<1x20x64xf32, #tpu.memory_space<hbm>>
      %dma_start3A_439 = tpu.memref_squeeze %dma_start3A_438 : memref<1x20x64xf32, #tpu.memory_space<hbm>> -> memref<20x64xf32, #tpu.memory_space<hbm>>
      %dma_start3A_440 = arith.constant 0 : i32
      %dma_start3A_441 = arith.constant 0 : i32
      %dma_start3A_442 = tpu.memref_slice %arg4[%add3A_432, %dma_start3A_440, %dma_start3A_441] : memref<16384x20x64xf32, #tpu.memory_space<hbm>> -> memref<1x20x64xf32, #tpu.memory_space<hbm>>
      %dma_start3A_443 = tpu.memref_squeeze %dma_start3A_442 : memref<1x20x64xf32, #tpu.memory_space<hbm>> -> memref<20x64xf32, #tpu.memory_space<hbm>>
      %dma_start3A_444 = arith.constant 100 : i32
      %dma_start3A_445 = arith.constant 0 : i32
      %dma_start3A_446 = tpu.memref_slice %arg7[%dma_start3A_444, %dma_start3A_445] : memref<320x64xf32, #tpu.memory_space<vmem>> -> memref<20x64xf32, #tpu.memory_space<vmem>>
      tpu.enqueue_dma source(%dma_start3A_446 : memref<20x64xf32, #tpu.memory_space<vmem>>) target(%dma_start3A_443 : memref<20x64xf32, #tpu.memory_space<hbm>>) target_semaphore(%arg13 : memref<!tpu.dma_semaphore, #tpu.memory_space<semaphore_mem>>)
      %mul3A_447 = arith.constant 5 : i32
      %mul3A_448 = arith.muli %scan3A_298, %mul3A_447 : i32
      %add3A_449 = arith.constant 2 : i32
      %add3A_450 = arith.addi %mul3A_448, %add3A_449 : i32
      %dma_wait3A_451 = arith.constant 128 : i32
      %dma_wait3A_452 = arith.constant 0 : i32
      %dma_wait3A_453 = tpu.memref_slice %arg6[%dma_wait3A_451, %dma_wait3A_452] : memref<320x128xf32, #tpu.memory_space<vmem>> -> memref<64x128xf32, #tpu.memory_space<vmem>>
      %dma_wait3A_454 = arith.constant 0 : i32
      %dma_wait3A_455 = tpu.memref_slice %arg5[%add3A_450, %dma_wait3A_454] : memref<160x64xi32, #tpu.memory_space<vmem>> -> memref<1x64xi32, #tpu.memory_space<vmem>>
      %dma_wait3A_456 = tpu.memref_squeeze %dma_wait3A_455 : memref<1x64xi32, #tpu.memory_space<vmem>> -> memref<64xi32, #tpu.memory_space<vmem>>
      %dma_wait3A_457 = arith.constant 0 : i32
      %dma_wait3A_458 = arith.constant 0 : i32
      %dma_wait3A_459 = tpu.memref_slice %arg3[%dma_wait3A_457, %dma_wait3A_458] : memref<1000000x128xf32, #tpu.memory_space<hbm>> -> memref<1000000x128xf32, #tpu.memory_space<hbm>>
      tpu.wait_indirect_dma semaphore(%arg10 : memref<!tpu.dma_semaphore, #tpu.memory_space<semaphore_mem>>) src(%dma_wait3A_459 : memref<1000000x128xf32, #tpu.memory_space<hbm>>) dst(%dma_wait3A_453 : memref<64x128xf32, #tpu.memory_space<vmem>>)
      %scan3A_460 = arith.constant 0 : i32
      %scan3A_461 = arith.constant 128 : i32
      %scan3A_462 = arith.constant 64 : i32
      %scan3A_463 = arith.addi %scan3A_461, %scan3A_462 : i32
      %scan3A_464 = arith.constant 1 : i32
      scf.for %scan3A_679 = %scan3A_461 to %scan3A_463 step %scan3A_464  : i32 {
        %get3A = arith.index_cast %scan3A_679 : i32 to index
        %get3A_680 = arith.constant 0 : index
        %get3A_681 = tpu.vector_load %arg6[%get3A, %get3A_680] {strides = array<i32>} : memref<320x128xf32, #tpu.memory_space<vmem>>, vector<1x16xf32>,
        %get3A_682 = vector.shape_cast %get3A_681 : vector<1x16xf32> to vector<16xf32>
        %swap3A = arith.index_cast %scan3A_679 : i32 to index
        %swap3A_683 = arith.constant 0 : index
        %swap3A_684 = tpu.vector_load %arg7[%swap3A, %swap3A_683] {strides = array<i32>} : memref<320x64xf32, #tpu.memory_space<vmem>>, vector<1x16xf32>,
        %swap3A_685 = vector.shape_cast %swap3A_684 : vector<1x16xf32> to vector<16xf32>
        %swap3A_686 = vector.shape_cast %get3A_682 : vector<16xf32> to vector<1x16xf32>
        tpu.vector_store %arg7[%swap3A, %swap3A_683], %swap3A_686 {strides = array<i32>} : memref<320x64xf32, #tpu.memory_space<vmem>>, vector<1x16xf32>,
        %get3A_687 = arith.index_cast %scan3A_679 : i32 to index
        %get3A_688 = arith.constant 16 : index
        %get3A_689 = tpu.vector_load %arg6[%get3A_687, %get3A_688] {strides = array<i32>} : memref<320x128xf32, #tpu.memory_space<vmem>>, vector<1x16xf32>,
        %get3A_690 = vector.shape_cast %get3A_689 : vector<1x16xf32> to vector<16xf32>
        %swap3A_691 = arith.index_cast %scan3A_679 : i32 to index
        %swap3A_692 = arith.constant 16 : index
        %swap3A_693 = tpu.vector_load %arg7[%swap3A_691, %swap3A_692] {strides = array<i32>} : memref<320x64xf32, #tpu.memory_space<vmem>>, vector<1x16xf32>,
        %swap3A_694 = vector.shape_cast %swap3A_693 : vector<1x16xf32> to vector<16xf32>
        %swap3A_695 = vector.shape_cast %get3A_690 : vector<16xf32> to vector<1x16xf32>
        tpu.vector_store %arg7[%swap3A_691, %swap3A_692], %swap3A_695 {strides = array<i32>} : memref<320x64xf32, #tpu.memory_space<vmem>>, vector<1x16xf32>,
        %get3A_696 = arith.index_cast %scan3A_679 : i32 to index
        %get3A_697 = arith.constant 32 : index
        %get3A_698 = tpu.vector_load %arg6[%get3A_696, %get3A_697] {strides = array<i32>} : memref<320x128xf32, #tpu.memory_space<vmem>>, vector<1x16xf32>,
        %get3A_699 = vector.shape_cast %get3A_698 : vector<1x16xf32> to vector<16xf32>
        %swap3A_700 = arith.index_cast %scan3A_679 : i32 to index
        %swap3A_701 = arith.constant 32 : index
        %swap3A_702 = tpu.vector_load %arg7[%swap3A_700, %swap3A_701] {strides = array<i32>} : memref<320x64xf32, #tpu.memory_space<vmem>>, vector<1x16xf32>,
        %swap3A_703 = vector.shape_cast %swap3A_702 : vector<1x16xf32> to vector<16xf32>
        %swap3A_704 = vector.shape_cast %get3A_699 : vector<16xf32> to vector<1x16xf32>
        tpu.vector_store %arg7[%swap3A_700, %swap3A_701], %swap3A_704 {strides = array<i32>} : memref<320x64xf32, #tpu.memory_space<vmem>>, vector<1x16xf32>,
        %get3A_705 = arith.index_cast %scan3A_679 : i32 to index
        %get3A_706 = arith.constant 48 : index
        %get3A_707 = tpu.vector_load %arg6[%get3A_705, %get3A_706] {strides = array<i32>} : memref<320x128xf32, #tpu.memory_space<vmem>>, vector<1x16xf32>,
        %get3A_708 = vector.shape_cast %get3A_707 : vector<1x16xf32> to vector<16xf32>
        %swap3A_709 = arith.index_cast %scan3A_679 : i32 to index
        %swap3A_710 = arith.constant 48 : index
        %swap3A_711 = tpu.vector_load %arg7[%swap3A_709, %swap3A_710] {strides = array<i32>} : memref<320x64xf32, #tpu.memory_space<vmem>>, vector<1x16xf32>,
        %swap3A_712 = vector.shape_cast %swap3A_711 : vector<1x16xf32> to vector<16xf32>
        %swap3A_713 = vector.shape_cast %get3A_708 : vector<16xf32> to vector<1x16xf32>
        tpu.vector_store %arg7[%swap3A_709, %swap3A_710], %swap3A_713 {strides = array<i32>} : memref<320x64xf32, #tpu.memory_space<vmem>>, vector<1x16xf32>,
      }
      %scan3A_465 = arith.constant 64 : i32
      %lt3A_466 = arith.constant 31 : i32
      %lt3A_467 = arith.cmpi slt, %scan3A_298, %lt3A_466 : i32
      %convert_element_type3A_468 = arith.extui %lt3A_467 : i1 to i32
      %cond3A_469 = arith.constant 0 : i32
      %cond3A_470 = arith.cmpi ne, %convert_element_type3A_468, %cond3A_469 : i32
      scf.if %cond3A_470 {
        %add3A_679 = arith.constant 1 : i32
        %add3A_680 = arith.addi %scan3A_298, %add3A_679 : i32
        %mul3A_681 = arith.constant 5 : i32
        %mul3A_682 = arith.muli %add3A_680, %mul3A_681 : i32
        %add3A_683 = arith.constant 2 : i32
        %add3A_684 = arith.addi %mul3A_682, %add3A_683 : i32
        %dma_start3A_685 = arith.constant 128 : i32
        %dma_start3A_686 = arith.constant 0 : i32
        %dma_start3A_687 = tpu.memref_slice %arg6[%dma_start3A_685, %dma_start3A_686] : memref<320x128xf32, #tpu.memory_space<vmem>> -> memref<64x128xf32, #tpu.memory_space<vmem>>
        %dma_start3A_688 = arith.constant 0 : i32
        %dma_start3A_689 = tpu.memref_slice %arg5[%add3A_684, %dma_start3A_688] : memref<160x64xi32, #tpu.memory_space<vmem>> -> memref<1x64xi32, #tpu.memory_space<vmem>>
        %dma_start3A_690 = tpu.memref_squeeze %dma_start3A_689 : memref<1x64xi32, #tpu.memory_space<vmem>> -> memref<64xi32, #tpu.memory_space<vmem>>
        %dma_start3A_691 = arith.constant 0 : i32
        %dma_start3A_692 = arith.constant 0 : i32
        %dma_start3A_693 = tpu.memref_slice %arg3[%dma_start3A_691, %dma_start3A_692] : memref<1000000x128xf32, #tpu.memory_space<hbm>> -> memref<1000000x128xf32, #tpu.memory_space<hbm>>
        tpu.enqueue_indirect_dma source(%dma_start3A_693 : memref<1000000x128xf32, #tpu.memory_space<hbm>>) target(%dma_start3A_687 : memref<64x128xf32, #tpu.memory_space<vmem>>) offsets(%dma_start3A_690 : memref<64xi32, #tpu.memory_space<vmem>>) semaphore(%arg10 : memref<!tpu.dma_semaphore, #tpu.memory_space<semaphore_mem>>)
      } else {
      }
      %add3A_471 = arith.constant 6 : i32
      %add3A_472 = arith.addi %add3A_301, %add3A_471 : i32
      %dma_start3A_473 = arith.constant 120 : i32
      %dma_start3A_474 = arith.constant 0 : i32
      %dma_start3A_475 = tpu.memref_slice %arg7[%dma_start3A_473, %dma_start3A_474] : memref<320x64xf32, #tpu.memory_space<vmem>> -> memref<20x64xf32, #tpu.memory_space<vmem>>
      %dma_start3A_476 = arith.constant 0 : i32
      %dma_start3A_477 = arith.constant 0 : i32
      %dma_start3A_478 = tpu.memref_slice %arg4[%add3A_472, %dma_start3A_476, %dma_start3A_477] : memref<16384x20x64xf32, #tpu.memory_space<hbm>> -> memref<1x20x64xf32, #tpu.memory_space<hbm>>
      %dma_start3A_479 = tpu.memref_squeeze %dma_start3A_478 : memref<1x20x64xf32, #tpu.memory_space<hbm>> -> memref<20x64xf32, #tpu.memory_space<hbm>>
      %dma_start3A_480 = arith.constant 0 : i32
      %dma_start3A_481 = arith.constant 0 : i32
      %dma_start3A_482 = tpu.memref_slice %arg4[%add3A_472, %dma_start3A_480, %dma_start3A_481] : memref<16384x20x64xf32, #tpu.memory_space<hbm>> -> memref<1x20x64xf32, #tpu.memory_space<hbm>>
      %dma_start3A_483 = tpu.memref_squeeze %dma_start3A_482 : memref<1x20x64xf32, #tpu.memory_space<hbm>> -> memref<20x64xf32, #tpu.memory_space<hbm>>
      %dma_start3A_484 = arith.constant 120 : i32
      %dma_start3A_485 = arith.constant 0 : i32
      %dma_start3A_486 = tpu.memref_slice %arg7[%dma_start3A_484, %dma_start3A_485] : memref<320x64xf32, #tpu.memory_space<vmem>> -> memref<20x64xf32, #tpu.memory_space<vmem>>
      tpu.enqueue_dma source(%dma_start3A_486 : memref<20x64xf32, #tpu.memory_space<vmem>>) target(%dma_start3A_483 : memref<20x64xf32, #tpu.memory_space<hbm>>) target_semaphore(%arg13 : memref<!tpu.dma_semaphore, #tpu.memory_space<semaphore_mem>>)
      %add3A_487 = arith.constant 7 : i32
      %add3A_488 = arith.addi %add3A_301, %add3A_487 : i32
      %dma_start3A_489 = arith.constant 140 : i32
      %dma_start3A_490 = arith.constant 0 : i32
      %dma_start3A_491 = tpu.memref_slice %arg7[%dma_start3A_489, %dma_start3A_490] : memref<320x64xf32, #tpu.memory_space<vmem>> -> memref<20x64xf32, #tpu.memory_space<vmem>>
      %dma_start3A_492 = arith.constant 0 : i32
      %dma_start3A_493 = arith.constant 0 : i32
      %dma_start3A_494 = tpu.memref_slice %arg4[%add3A_488, %dma_start3A_492, %dma_start3A_493] : memref<16384x20x64xf32, #tpu.memory_space<hbm>> -> memref<1x20x64xf32, #tpu.memory_space<hbm>>
      %dma_start3A_495 = tpu.memref_squeeze %dma_start3A_494 : memref<1x20x64xf32, #tpu.memory_space<hbm>> -> memref<20x64xf32, #tpu.memory_space<hbm>>
      %dma_start3A_496 = arith.constant 0 : i32
      %dma_start3A_497 = arith.constant 0 : i32
      %dma_start3A_498 = tpu.memref_slice %arg4[%add3A_488, %dma_start3A_496, %dma_start3A_497] : memref<16384x20x64xf32, #tpu.memory_space<hbm>> -> memref<1x20x64xf32, #tpu.memory_space<hbm>>
      %dma_start3A_499 = tpu.memref_squeeze %dma_start3A_498 : memref<1x20x64xf32, #tpu.memory_space<hbm>> -> memref<20x64xf32, #tpu.memory_space<hbm>>
      %dma_start3A_500 = arith.constant 140 : i32
      %dma_start3A_501 = arith.constant 0 : i32
      %dma_start3A_502 = tpu.memref_slice %arg7[%dma_start3A_500, %dma_start3A_501] : memref<320x64xf32, #tpu.memory_space<vmem>> -> memref<20x64xf32, #tpu.memory_space<vmem>>
      tpu.enqueue_dma source(%dma_start3A_502 : memref<20x64xf32, #tpu.memory_space<vmem>>) target(%dma_start3A_499 : memref<20x64xf32, #tpu.memory_space<hbm>>) target_semaphore(%arg13 : memref<!tpu.dma_semaphore, #tpu.memory_space<semaphore_mem>>)
      %add3A_503 = arith.constant 8 : i32
      %add3A_504 = arith.addi %add3A_301, %add3A_503 : i32
      %dma_start3A_505 = arith.constant 160 : i32
      %dma_start3A_506 = arith.constant 0 : i32
      %dma_start3A_507 = tpu.memref_slice %arg7[%dma_start3A_505, %dma_start3A_506] : memref<320x64xf32, #tpu.memory_space<vmem>> -> memref<20x64xf32, #tpu.memory_space<vmem>>
      %dma_start3A_508 = arith.constant 0 : i32
      %dma_start3A_509 = arith.constant 0 : i32
      %dma_start3A_510 = tpu.memref_slice %arg4[%add3A_504, %dma_start3A_508, %dma_start3A_509] : memref<16384x20x64xf32, #tpu.memory_space<hbm>> -> memref<1x20x64xf32, #tpu.memory_space<hbm>>
      %dma_start3A_511 = tpu.memref_squeeze %dma_start3A_510 : memref<1x20x64xf32, #tpu.memory_space<hbm>> -> memref<20x64xf32, #tpu.memory_space<hbm>>
      %dma_start3A_512 = arith.constant 0 : i32
      %dma_start3A_513 = arith.constant 0 : i32
      %dma_start3A_514 = tpu.memref_slice %arg4[%add3A_504, %dma_start3A_512, %dma_start3A_513] : memref<16384x20x64xf32, #tpu.memory_space<hbm>> -> memref<1x20x64xf32, #tpu.memory_space<hbm>>
      %dma_start3A_515 = tpu.memref_squeeze %dma_start3A_514 : memref<1x20x64xf32, #tpu.memory_space<hbm>> -> memref<20x64xf32, #tpu.memory_space<hbm>>
      %dma_start3A_516 = arith.constant 160 : i32
      %dma_start3A_517 = arith.constant 0 : i32
      %dma_start3A_518 = tpu.memref_slice %arg7[%dma_start3A_516, %dma_start3A_517] : memref<320x64xf32, #tpu.memory_space<vmem>> -> memref<20x64xf32, #tpu.memory_space<vmem>>
      tpu.enqueue_dma source(%dma_start3A_518 : memref<20x64xf32, #tpu.memory_space<vmem>>) target(%dma_start3A_515 : memref<20x64xf32, #tpu.memory_space<hbm>>) target_semaphore(%arg13 : memref<!tpu.dma_semaphore, #tpu.memory_space<semaphore_mem>>)
      %mul3A_519 = arith.constant 5 : i32
      %mul3A_520 = arith.muli %scan3A_298, %mul3A_519 : i32
      %add3A_521 = arith.constant 3 : i32
      %add3A_522 = arith.addi %mul3A_520, %add3A_521 : i32
      %dma_wait3A_523 = arith.constant 192 : i32
      %dma_wait3A_524 = arith.constant 0 : i32
      %dma_wait3A_525 = tpu.memref_slice %arg6[%dma_wait3A_523, %dma_wait3A_524] : memref<320x128xf32, #tpu.memory_space<vmem>> -> memref<64x128xf32, #tpu.memory_space<vmem>>
      %dma_wait3A_526 = arith.constant 0 : i32
      %dma_wait3A_527 = tpu.memref_slice %arg5[%add3A_522, %dma_wait3A_526] : memref<160x64xi32, #tpu.memory_space<vmem>> -> memref<1x64xi32, #tpu.memory_space<vmem>>
      %dma_wait3A_528 = tpu.memref_squeeze %dma_wait3A_527 : memref<1x64xi32, #tpu.memory_space<vmem>> -> memref<64xi32, #tpu.memory_space<vmem>>
      %dma_wait3A_529 = arith.constant 0 : i32
      %dma_wait3A_530 = arith.constant 0 : i32
      %dma_wait3A_531 = tpu.memref_slice %arg3[%dma_wait3A_529, %dma_wait3A_530] : memref<1000000x128xf32, #tpu.memory_space<hbm>> -> memref<1000000x128xf32, #tpu.memory_space<hbm>>
      tpu.wait_indirect_dma semaphore(%arg11 : memref<!tpu.dma_semaphore, #tpu.memory_space<semaphore_mem>>) src(%dma_wait3A_531 : memref<1000000x128xf32, #tpu.memory_space<hbm>>) dst(%dma_wait3A_525 : memref<64x128xf32, #tpu.memory_space<vmem>>)
      %scan3A_532 = arith.constant 0 : i32
      %scan3A_533 = arith.constant 192 : i32
      %scan3A_534 = arith.constant 64 : i32
      %scan3A_535 = arith.addi %scan3A_533, %scan3A_534 : i32
      %scan3A_536 = arith.constant 1 : i32
      scf.for %scan3A_679 = %scan3A_533 to %scan3A_535 step %scan3A_536  : i32 {
        %get3A = arith.index_cast %scan3A_679 : i32 to index
        %get3A_680 = arith.constant 0 : index
        %get3A_681 = tpu.vector_load %arg6[%get3A, %get3A_680] {strides = array<i32>} : memref<320x128xf32, #tpu.memory_space<vmem>>, vector<1x16xf32>,
        %get3A_682 = vector.shape_cast %get3A_681 : vector<1x16xf32> to vector<16xf32>
        %swap3A = arith.index_cast %scan3A_679 : i32 to index
        %swap3A_683 = arith.constant 0 : index
        %swap3A_684 = tpu.vector_load %arg7[%swap3A, %swap3A_683] {strides = array<i32>} : memref<320x64xf32, #tpu.memory_space<vmem>>, vector<1x16xf32>,
        %swap3A_685 = vector.shape_cast %swap3A_684 : vector<1x16xf32> to vector<16xf32>
        %swap3A_686 = vector.shape_cast %get3A_682 : vector<16xf32> to vector<1x16xf32>
        tpu.vector_store %arg7[%swap3A, %swap3A_683], %swap3A_686 {strides = array<i32>} : memref<320x64xf32, #tpu.memory_space<vmem>>, vector<1x16xf32>,
        %get3A_687 = arith.index_cast %scan3A_679 : i32 to index
        %get3A_688 = arith.constant 16 : index
        %get3A_689 = tpu.vector_load %arg6[%get3A_687, %get3A_688] {strides = array<i32>} : memref<320x128xf32, #tpu.memory_space<vmem>>, vector<1x16xf32>,
        %get3A_690 = vector.shape_cast %get3A_689 : vector<1x16xf32> to vector<16xf32>
        %swap3A_691 = arith.index_cast %scan3A_679 : i32 to index
        %swap3A_692 = arith.constant 16 : index
        %swap3A_693 = tpu.vector_load %arg7[%swap3A_691, %swap3A_692] {strides = array<i32>} : memref<320x64xf32, #tpu.memory_space<vmem>>, vector<1x16xf32>,
        %swap3A_694 = vector.shape_cast %swap3A_693 : vector<1x16xf32> to vector<16xf32>
        %swap3A_695 = vector.shape_cast %get3A_690 : vector<16xf32> to vector<1x16xf32>
        tpu.vector_store %arg7[%swap3A_691, %swap3A_692], %swap3A_695 {strides = array<i32>} : memref<320x64xf32, #tpu.memory_space<vmem>>, vector<1x16xf32>,
        %get3A_696 = arith.index_cast %scan3A_679 : i32 to index
        %get3A_697 = arith.constant 32 : index
        %get3A_698 = tpu.vector_load %arg6[%get3A_696, %get3A_697] {strides = array<i32>} : memref<320x128xf32, #tpu.memory_space<vmem>>, vector<1x16xf32>,
        %get3A_699 = vector.shape_cast %get3A_698 : vector<1x16xf32> to vector<16xf32>
        %swap3A_700 = arith.index_cast %scan3A_679 : i32 to index
        %swap3A_701 = arith.constant 32 : index
        %swap3A_702 = tpu.vector_load %arg7[%swap3A_700, %swap3A_701] {strides = array<i32>} : memref<320x64xf32, #tpu.memory_space<vmem>>, vector<1x16xf32>,
        %swap3A_703 = vector.shape_cast %swap3A_702 : vector<1x16xf32> to vector<16xf32>
        %swap3A_704 = vector.shape_cast %get3A_699 : vector<16xf32> to vector<1x16xf32>
        tpu.vector_store %arg7[%swap3A_700, %swap3A_701], %swap3A_704 {strides = array<i32>} : memref<320x64xf32, #tpu.memory_space<vmem>>, vector<1x16xf32>,
        %get3A_705 = arith.index_cast %scan3A_679 : i32 to index
        %get3A_706 = arith.constant 48 : index
        %get3A_707 = tpu.vector_load %arg6[%get3A_705, %get3A_706] {strides = array<i32>} : memref<320x128xf32, #tpu.memory_space<vmem>>, vector<1x16xf32>,
        %get3A_708 = vector.shape_cast %get3A_707 : vector<1x16xf32> to vector<16xf32>
        %swap3A_709 = arith.index_cast %scan3A_679 : i32 to index
        %swap3A_710 = arith.constant 48 : index
        %swap3A_711 = tpu.vector_load %arg7[%swap3A_709, %swap3A_710] {strides = array<i32>} : memref<320x64xf32, #tpu.memory_space<vmem>>, vector<1x16xf32>,
        %swap3A_712 = vector.shape_cast %swap3A_711 : vector<1x16xf32> to vector<16xf32>
        %swap3A_713 = vector.shape_cast %get3A_708 : vector<16xf32> to vector<1x16xf32>
        tpu.vector_store %arg7[%swap3A_709, %swap3A_710], %swap3A_713 {strides = array<i32>} : memref<320x64xf32, #tpu.memory_space<vmem>>, vector<1x16xf32>,
      }
      %scan3A_537 = arith.constant 64 : i32
      %lt3A_538 = arith.constant 31 : i32
      %lt3A_539 = arith.cmpi slt, %scan3A_298, %lt3A_538 : i32
      %convert_element_type3A_540 = arith.extui %lt3A_539 : i1 to i32
      %cond3A_541 = arith.constant 0 : i32
      %cond3A_542 = arith.cmpi ne, %convert_element_type3A_540, %cond3A_541 : i32
      scf.if %cond3A_542 {
        %add3A_679 = arith.constant 1 : i32
        %add3A_680 = arith.addi %scan3A_298, %add3A_679 : i32
        %mul3A_681 = arith.constant 5 : i32
        %mul3A_682 = arith.muli %add3A_680, %mul3A_681 : i32
        %add3A_683 = arith.constant 3 : i32
        %add3A_684 = arith.addi %mul3A_682, %add3A_683 : i32
        %dma_start3A_685 = arith.constant 192 : i32
        %dma_start3A_686 = arith.constant 0 : i32
        %dma_start3A_687 = tpu.memref_slice %arg6[%dma_start3A_685, %dma_start3A_686] : memref<320x128xf32, #tpu.memory_space<vmem>> -> memref<64x128xf32, #tpu.memory_space<vmem>>
        %dma_start3A_688 = arith.constant 0 : i32
        %dma_start3A_689 = tpu.memref_slice %arg5[%add3A_684, %dma_start3A_688] : memref<160x64xi32, #tpu.memory_space<vmem>> -> memref<1x64xi32, #tpu.memory_space<vmem>>
        %dma_start3A_690 = tpu.memref_squeeze %dma_start3A_689 : memref<1x64xi32, #tpu.memory_space<vmem>> -> memref<64xi32, #tpu.memory_space<vmem>>
        %dma_start3A_691 = arith.constant 0 : i32
        %dma_start3A_692 = arith.constant 0 : i32
        %dma_start3A_693 = tpu.memref_slice %arg3[%dma_start3A_691, %dma_start3A_692] : memref<1000000x128xf32, #tpu.memory_space<hbm>> -> memref<1000000x128xf32, #tpu.memory_space<hbm>>
        tpu.enqueue_indirect_dma source(%dma_start3A_693 : memref<1000000x128xf32, #tpu.memory_space<hbm>>) target(%dma_start3A_687 : memref<64x128xf32, #tpu.memory_space<vmem>>) offsets(%dma_start3A_690 : memref<64xi32, #tpu.memory_space<vmem>>) semaphore(%arg11 : memref<!tpu.dma_semaphore, #tpu.memory_space<semaphore_mem>>)
      } else {
      }
      %add3A_543 = arith.constant 9 : i32
      %add3A_544 = arith.addi %add3A_301, %add3A_543 : i32
      %dma_start3A_545 = arith.constant 180 : i32
      %dma_start3A_546 = arith.constant 0 : i32
      %dma_start3A_547 = tpu.memref_slice %arg7[%dma_start3A_545, %dma_start3A_546] : memref<320x64xf32, #tpu.memory_space<vmem>> -> memref<20x64xf32, #tpu.memory_space<vmem>>
      %dma_start3A_548 = arith.constant 0 : i32
      %dma_start3A_549 = arith.constant 0 : i32
      %dma_start3A_550 = tpu.memref_slice %arg4[%add3A_544, %dma_start3A_548, %dma_start3A_549] : memref<16384x20x64xf32, #tpu.memory_space<hbm>> -> memref<1x20x64xf32, #tpu.memory_space<hbm>>
      %dma_start3A_551 = tpu.memref_squeeze %dma_start3A_550 : memref<1x20x64xf32, #tpu.memory_space<hbm>> -> memref<20x64xf32, #tpu.memory_space<hbm>>
      %dma_start3A_552 = arith.constant 0 : i32
      %dma_start3A_553 = arith.constant 0 : i32
      %dma_start3A_554 = tpu.memref_slice %arg4[%add3A_544, %dma_start3A_552, %dma_start3A_553] : memref<16384x20x64xf32, #tpu.memory_space<hbm>> -> memref<1x20x64xf32, #tpu.memory_space<hbm>>
      %dma_start3A_555 = tpu.memref_squeeze %dma_start3A_554 : memref<1x20x64xf32, #tpu.memory_space<hbm>> -> memref<20x64xf32, #tpu.memory_space<hbm>>
      %dma_start3A_556 = arith.constant 180 : i32
      %dma_start3A_557 = arith.constant 0 : i32
      %dma_start3A_558 = tpu.memref_slice %arg7[%dma_start3A_556, %dma_start3A_557] : memref<320x64xf32, #tpu.memory_space<vmem>> -> memref<20x64xf32, #tpu.memory_space<vmem>>
      tpu.enqueue_dma source(%dma_start3A_558 : memref<20x64xf32, #tpu.memory_space<vmem>>) target(%dma_start3A_555 : memref<20x64xf32, #tpu.memory_space<hbm>>) target_semaphore(%arg13 : memref<!tpu.dma_semaphore, #tpu.memory_space<semaphore_mem>>)
      %add3A_559 = arith.constant 10 : i32
      %add3A_560 = arith.addi %add3A_301, %add3A_559 : i32
      %dma_start3A_561 = arith.constant 200 : i32
      %dma_start3A_562 = arith.constant 0 : i32
      %dma_start3A_563 = tpu.memref_slice %arg7[%dma_start3A_561, %dma_start3A_562] : memref<320x64xf32, #tpu.memory_space<vmem>> -> memref<20x64xf32, #tpu.memory_space<vmem>>
      %dma_start3A_564 = arith.constant 0 : i32
      %dma_start3A_565 = arith.constant 0 : i32
      %dma_start3A_566 = tpu.memref_slice %arg4[%add3A_560, %dma_start3A_564, %dma_start3A_565] : memref<16384x20x64xf32, #tpu.memory_space<hbm>> -> memref<1x20x64xf32, #tpu.memory_space<hbm>>
      %dma_start3A_567 = tpu.memref_squeeze %dma_start3A_566 : memref<1x20x64xf32, #tpu.memory_space<hbm>> -> memref<20x64xf32, #tpu.memory_space<hbm>>
      %dma_start3A_568 = arith.constant 0 : i32
      %dma_start3A_569 = arith.constant 0 : i32
      %dma_start3A_570 = tpu.memref_slice %arg4[%add3A_560, %dma_start3A_568, %dma_start3A_569] : memref<16384x20x64xf32, #tpu.memory_space<hbm>> -> memref<1x20x64xf32, #tpu.memory_space<hbm>>
      %dma_start3A_571 = tpu.memref_squeeze %dma_start3A_570 : memref<1x20x64xf32, #tpu.memory_space<hbm>> -> memref<20x64xf32, #tpu.memory_space<hbm>>
      %dma_start3A_572 = arith.constant 200 : i32
      %dma_start3A_573 = arith.constant 0 : i32
      %dma_start3A_574 = tpu.memref_slice %arg7[%dma_start3A_572, %dma_start3A_573] : memref<320x64xf32, #tpu.memory_space<vmem>> -> memref<20x64xf32, #tpu.memory_space<vmem>>
      tpu.enqueue_dma source(%dma_start3A_574 : memref<20x64xf32, #tpu.memory_space<vmem>>) target(%dma_start3A_571 : memref<20x64xf32, #tpu.memory_space<hbm>>) target_semaphore(%arg13 : memref<!tpu.dma_semaphore, #tpu.memory_space<semaphore_mem>>)
      %add3A_575 = arith.constant 11 : i32
      %add3A_576 = arith.addi %add3A_301, %add3A_575 : i32
      %dma_start3A_577 = arith.constant 220 : i32
      %dma_start3A_578 = arith.constant 0 : i32
      %dma_start3A_579 = tpu.memref_slice %arg7[%dma_start3A_577, %dma_start3A_578] : memref<320x64xf32, #tpu.memory_space<vmem>> -> memref<20x64xf32, #tpu.memory_space<vmem>>
      %dma_start3A_580 = arith.constant 0 : i32
      %dma_start3A_581 = arith.constant 0 : i32
      %dma_start3A_582 = tpu.memref_slice %arg4[%add3A_576, %dma_start3A_580, %dma_start3A_581] : memref<16384x20x64xf32, #tpu.memory_space<hbm>> -> memref<1x20x64xf32, #tpu.memory_space<hbm>>
      %dma_start3A_583 = tpu.memref_squeeze %dma_start3A_582 : memref<1x20x64xf32, #tpu.memory_space<hbm>> -> memref<20x64xf32, #tpu.memory_space<hbm>>
      %dma_start3A_584 = arith.constant 0 : i32
      %dma_start3A_585 = arith.constant 0 : i32
      %dma_start3A_586 = tpu.memref_slice %arg4[%add3A_576, %dma_start3A_584, %dma_start3A_585] : memref<16384x20x64xf32, #tpu.memory_space<hbm>> -> memref<1x20x64xf32, #tpu.memory_space<hbm>>
      %dma_start3A_587 = tpu.memref_squeeze %dma_start3A_586 : memref<1x20x64xf32, #tpu.memory_space<hbm>> -> memref<20x64xf32, #tpu.memory_space<hbm>>
      %dma_start3A_588 = arith.constant 220 : i32
      %dma_start3A_589 = arith.constant 0 : i32
      %dma_start3A_590 = tpu.memref_slice %arg7[%dma_start3A_588, %dma_start3A_589] : memref<320x64xf32, #tpu.memory_space<vmem>> -> memref<20x64xf32, #tpu.memory_space<vmem>>
      tpu.enqueue_dma source(%dma_start3A_590 : memref<20x64xf32, #tpu.memory_space<vmem>>) target(%dma_start3A_587 : memref<20x64xf32, #tpu.memory_space<hbm>>) target_semaphore(%arg13 : memref<!tpu.dma_semaphore, #tpu.memory_space<semaphore_mem>>)
      %mul3A_591 = arith.constant 5 : i32
      %mul3A_592 = arith.muli %scan3A_298, %mul3A_591 : i32
      %add3A_593 = arith.constant 4 : i32
      %add3A_594 = arith.addi %mul3A_592, %add3A_593 : i32
      %dma_wait3A_595 = arith.constant 256 : i32
      %dma_wait3A_596 = arith.constant 0 : i32
      %dma_wait3A_597 = tpu.memref_slice %arg6[%dma_wait3A_595, %dma_wait3A_596] : memref<320x128xf32, #tpu.memory_space<vmem>> -> memref<64x128xf32, #tpu.memory_space<vmem>>
      %dma_wait3A_598 = arith.constant 0 : i32
      %dma_wait3A_599 = tpu.memref_slice %arg5[%add3A_594, %dma_wait3A_598] : memref<160x64xi32, #tpu.memory_space<vmem>> -> memref<1x64xi32, #tpu.memory_space<vmem>>
      %dma_wait3A_600 = tpu.memref_squeeze %dma_wait3A_599 : memref<1x64xi32, #tpu.memory_space<vmem>> -> memref<64xi32, #tpu.memory_space<vmem>>
      %dma_wait3A_601 = arith.constant 0 : i32
      %dma_wait3A_602 = arith.constant 0 : i32
      %dma_wait3A_603 = tpu.memref_slice %arg3[%dma_wait3A_601, %dma_wait3A_602] : memref<1000000x128xf32, #tpu.memory_space<hbm>> -> memref<1000000x128xf32, #tpu.memory_space<hbm>>
      tpu.wait_indirect_dma semaphore(%arg12 : memref<!tpu.dma_semaphore, #tpu.memory_space<semaphore_mem>>) src(%dma_wait3A_603 : memref<1000000x128xf32, #tpu.memory_space<hbm>>) dst(%dma_wait3A_597 : memref<64x128xf32, #tpu.memory_space<vmem>>)
      %scan3A_604 = arith.constant 0 : i32
      %scan3A_605 = arith.constant 256 : i32
      %scan3A_606 = arith.constant 64 : i32
      %scan3A_607 = arith.addi %scan3A_605, %scan3A_606 : i32
      %scan3A_608 = arith.constant 1 : i32
      scf.for %scan3A_679 = %scan3A_605 to %scan3A_607 step %scan3A_608  : i32 {
        %get3A = arith.index_cast %scan3A_679 : i32 to index
        %get3A_680 = arith.constant 0 : index
        %get3A_681 = tpu.vector_load %arg6[%get3A, %get3A_680] {strides = array<i32>} : memref<320x128xf32, #tpu.memory_space<vmem>>, vector<1x16xf32>,
        %get3A_682 = vector.shape_cast %get3A_681 : vector<1x16xf32> to vector<16xf32>
        %swap3A = arith.index_cast %scan3A_679 : i32 to index
        %swap3A_683 = arith.constant 0 : index
        %swap3A_684 = tpu.vector_load %arg7[%swap3A, %swap3A_683] {strides = array<i32>} : memref<320x64xf32, #tpu.memory_space<vmem>>, vector<1x16xf32>,
        %swap3A_685 = vector.shape_cast %swap3A_684 : vector<1x16xf32> to vector<16xf32>
        %swap3A_686 = vector.shape_cast %get3A_682 : vector<16xf32> to vector<1x16xf32>
        tpu.vector_store %arg7[%swap3A, %swap3A_683], %swap3A_686 {strides = array<i32>} : memref<320x64xf32, #tpu.memory_space<vmem>>, vector<1x16xf32>,
        %get3A_687 = arith.index_cast %scan3A_679 : i32 to index
        %get3A_688 = arith.constant 16 : index
        %get3A_689 = tpu.vector_load %arg6[%get3A_687, %get3A_688] {strides = array<i32>} : memref<320x128xf32, #tpu.memory_space<vmem>>, vector<1x16xf32>,
        %get3A_690 = vector.shape_cast %get3A_689 : vector<1x16xf32> to vector<16xf32>
        %swap3A_691 = arith.index_cast %scan3A_679 : i32 to index
        %swap3A_692 = arith.constant 16 : index
        %swap3A_693 = tpu.vector_load %arg7[%swap3A_691, %swap3A_692] {strides = array<i32>} : memref<320x64xf32, #tpu.memory_space<vmem>>, vector<1x16xf32>,
        %swap3A_694 = vector.shape_cast %swap3A_693 : vector<1x16xf32> to vector<16xf32>
        %swap3A_695 = vector.shape_cast %get3A_690 : vector<16xf32> to vector<1x16xf32>
        tpu.vector_store %arg7[%swap3A_691, %swap3A_692], %swap3A_695 {strides = array<i32>} : memref<320x64xf32, #tpu.memory_space<vmem>>, vector<1x16xf32>,
        %get3A_696 = arith.index_cast %scan3A_679 : i32 to index
        %get3A_697 = arith.constant 32 : index
        %get3A_698 = tpu.vector_load %arg6[%get3A_696, %get3A_697] {strides = array<i32>} : memref<320x128xf32, #tpu.memory_space<vmem>>, vector<1x16xf32>,
        %get3A_699 = vector.shape_cast %get3A_698 : vector<1x16xf32> to vector<16xf32>
        %swap3A_700 = arith.index_cast %scan3A_679 : i32 to index
        %swap3A_701 = arith.constant 32 : index
        %swap3A_702 = tpu.vector_load %arg7[%swap3A_700, %swap3A_701] {strides = array<i32>} : memref<320x64xf32, #tpu.memory_space<vmem>>, vector<1x16xf32>,
        %swap3A_703 = vector.shape_cast %swap3A_702 : vector<1x16xf32> to vector<16xf32>
        %swap3A_704 = vector.shape_cast %get3A_699 : vector<16xf32> to vector<1x16xf32>
        tpu.vector_store %arg7[%swap3A_700, %swap3A_701], %swap3A_704 {strides = array<i32>} : memref<320x64xf32, #tpu.memory_space<vmem>>, vector<1x16xf32>,
        %get3A_705 = arith.index_cast %scan3A_679 : i32 to index
        %get3A_706 = arith.constant 48 : index
        %get3A_707 = tpu.vector_load %arg6[%get3A_705, %get3A_706] {strides = array<i32>} : memref<320x128xf32, #tpu.memory_space<vmem>>, vector<1x16xf32>,
        %get3A_708 = vector.shape_cast %get3A_707 : vector<1x16xf32> to vector<16xf32>
        %swap3A_709 = arith.index_cast %scan3A_679 : i32 to index
        %swap3A_710 = arith.constant 48 : index
        %swap3A_711 = tpu.vector_load %arg7[%swap3A_709, %swap3A_710] {strides = array<i32>} : memref<320x64xf32, #tpu.memory_space<vmem>>, vector<1x16xf32>,
        %swap3A_712 = vector.shape_cast %swap3A_711 : vector<1x16xf32> to vector<16xf32>
        %swap3A_713 = vector.shape_cast %get3A_708 : vector<16xf32> to vector<1x16xf32>
        tpu.vector_store %arg7[%swap3A_709, %swap3A_710], %swap3A_713 {strides = array<i32>} : memref<320x64xf32, #tpu.memory_space<vmem>>, vector<1x16xf32>,
      }
      %scan3A_609 = arith.constant 64 : i32
      %lt3A_610 = arith.constant 31 : i32
      %lt3A_611 = arith.cmpi slt, %scan3A_298, %lt3A_610 : i32
      %convert_element_type3A_612 = arith.extui %lt3A_611 : i1 to i32
      %cond3A_613 = arith.constant 0 : i32
      %cond3A_614 = arith.cmpi ne, %convert_element_type3A_612, %cond3A_613 : i32
      scf.if %cond3A_614 {
        %add3A_679 = arith.constant 1 : i32
        %add3A_680 = arith.addi %scan3A_298, %add3A_679 : i32
        %mul3A_681 = arith.constant 5 : i32
        %mul3A_682 = arith.muli %add3A_680, %mul3A_681 : i32
        %add3A_683 = arith.constant 4 : i32
        %add3A_684 = arith.addi %mul3A_682, %add3A_683 : i32
        %dma_start3A_685 = arith.constant 256 : i32
        %dma_start3A_686 = arith.constant 0 : i32
        %dma_start3A_687 = tpu.memref_slice %arg6[%dma_start3A_685, %dma_start3A_686] : memref<320x128xf32, #tpu.memory_space<vmem>> -> memref<64x128xf32, #tpu.memory_space<vmem>>
        %dma_start3A_688 = arith.constant 0 : i32
        %dma_start3A_689 = tpu.memref_slice %arg5[%add3A_684, %dma_start3A_688] : memref<160x64xi32, #tpu.memory_space<vmem>> -> memref<1x64xi32, #tpu.memory_space<vmem>>
        %dma_start3A_690 = tpu.memref_squeeze %dma_start3A_689 : memref<1x64xi32, #tpu.memory_space<vmem>> -> memref<64xi32, #tpu.memory_space<vmem>>
        %dma_start3A_691 = arith.constant 0 : i32
        %dma_start3A_692 = arith.constant 0 : i32
        %dma_start3A_693 = tpu.memref_slice %arg3[%dma_start3A_691, %dma_start3A_692] : memref<1000000x128xf32, #tpu.memory_space<hbm>> -> memref<1000000x128xf32, #tpu.memory_space<hbm>>
        tpu.enqueue_indirect_dma source(%dma_start3A_693 : memref<1000000x128xf32, #tpu.memory_space<hbm>>) target(%dma_start3A_687 : memref<64x128xf32, #tpu.memory_space<vmem>>) offsets(%dma_start3A_690 : memref<64xi32, #tpu.memory_space<vmem>>) semaphore(%arg12 : memref<!tpu.dma_semaphore, #tpu.memory_space<semaphore_mem>>)
      } else {
      }
      %add3A_615 = arith.constant 12 : i32
      %add3A_616 = arith.addi %add3A_301, %add3A_615 : i32
      %dma_start3A_617 = arith.constant 240 : i32
      %dma_start3A_618 = arith.constant 0 : i32
      %dma_start3A_619 = tpu.memref_slice %arg7[%dma_start3A_617, %dma_start3A_618] : memref<320x64xf32, #tpu.memory_space<vmem>> -> memref<20x64xf32, #tpu.memory_space<vmem>>
      %dma_start3A_620 = arith.constant 0 : i32
      %dma_start3A_621 = arith.constant 0 : i32
      %dma_start3A_622 = tpu.memref_slice %arg4[%add3A_616, %dma_start3A_620, %dma_start3A_621] : memref<16384x20x64xf32, #tpu.memory_space<hbm>> -> memref<1x20x64xf32, #tpu.memory_space<hbm>>
      %dma_start3A_623 = tpu.memref_squeeze %dma_start3A_622 : memref<1x20x64xf32, #tpu.memory_space<hbm>> -> memref<20x64xf32, #tpu.memory_space<hbm>>
      %dma_start3A_624 = arith.constant 0 : i32
      %dma_start3A_625 = arith.constant 0 : i32
      %dma_start3A_626 = tpu.memref_slice %arg4[%add3A_616, %dma_start3A_624, %dma_start3A_625] : memref<16384x20x64xf32, #tpu.memory_space<hbm>> -> memref<1x20x64xf32, #tpu.memory_space<hbm>>
      %dma_start3A_627 = tpu.memref_squeeze %dma_start3A_626 : memref<1x20x64xf32, #tpu.memory_space<hbm>> -> memref<20x64xf32, #tpu.memory_space<hbm>>
      %dma_start3A_628 = arith.constant 240 : i32
      %dma_start3A_629 = arith.constant 0 : i32
      %dma_start3A_630 = tpu.memref_slice %arg7[%dma_start3A_628, %dma_start3A_629] : memref<320x64xf32, #tpu.memory_space<vmem>> -> memref<20x64xf32, #tpu.memory_space<vmem>>
      tpu.enqueue_dma source(%dma_start3A_630 : memref<20x64xf32, #tpu.memory_space<vmem>>) target(%dma_start3A_627 : memref<20x64xf32, #tpu.memory_space<hbm>>) target_semaphore(%arg13 : memref<!tpu.dma_semaphore, #tpu.memory_space<semaphore_mem>>)
      %add3A_631 = arith.constant 13 : i32
      %add3A_632 = arith.addi %add3A_301, %add3A_631 : i32
      %dma_start3A_633 = arith.constant 260 : i32
      %dma_start3A_634 = arith.constant 0 : i32
      %dma_start3A_635 = tpu.memref_slice %arg7[%dma_start3A_633, %dma_start3A_634] : memref<320x64xf32, #tpu.memory_space<vmem>> -> memref<20x64xf32, #tpu.memory_space<vmem>>
      %dma_start3A_636 = arith.constant 0 : i32
      %dma_start3A_637 = arith.constant 0 : i32
      %dma_start3A_638 = tpu.memref_slice %arg4[%add3A_632, %dma_start3A_636, %dma_start3A_637] : memref<16384x20x64xf32, #tpu.memory_space<hbm>> -> memref<1x20x64xf32, #tpu.memory_space<hbm>>
      %dma_start3A_639 = tpu.memref_squeeze %dma_start3A_638 : memref<1x20x64xf32, #tpu.memory_space<hbm>> -> memref<20x64xf32, #tpu.memory_space<hbm>>
      %dma_start3A_640 = arith.constant 0 : i32
      %dma_start3A_641 = arith.constant 0 : i32
      %dma_start3A_642 = tpu.memref_slice %arg4[%add3A_632, %dma_start3A_640, %dma_start3A_641] : memref<16384x20x64xf32, #tpu.memory_space<hbm>> -> memref<1x20x64xf32, #tpu.memory_space<hbm>>
      %dma_start3A_643 = tpu.memref_squeeze %dma_start3A_642 : memref<1x20x64xf32, #tpu.memory_space<hbm>> -> memref<20x64xf32, #tpu.memory_space<hbm>>
      %dma_start3A_644 = arith.constant 260 : i32
      %dma_start3A_645 = arith.constant 0 : i32
      %dma_start3A_646 = tpu.memref_slice %arg7[%dma_start3A_644, %dma_start3A_645] : memref<320x64xf32, #tpu.memory_space<vmem>> -> memref<20x64xf32, #tpu.memory_space<vmem>>
      tpu.enqueue_dma source(%dma_start3A_646 : memref<20x64xf32, #tpu.memory_space<vmem>>) target(%dma_start3A_643 : memref<20x64xf32, #tpu.memory_space<hbm>>) target_semaphore(%arg13 : memref<!tpu.dma_semaphore, #tpu.memory_space<semaphore_mem>>)
      %add3A_647 = arith.constant 14 : i32
      %add3A_648 = arith.addi %add3A_301, %add3A_647 : i32
      %dma_start3A_649 = arith.constant 280 : i32
      %dma_start3A_650 = arith.constant 0 : i32
      %dma_start3A_651 = tpu.memref_slice %arg7[%dma_start3A_649, %dma_start3A_650] : memref<320x64xf32, #tpu.memory_space<vmem>> -> memref<20x64xf32, #tpu.memory_space<vmem>>
      %dma_start3A_652 = arith.constant 0 : i32
      %dma_start3A_653 = arith.constant 0 : i32
      %dma_start3A_654 = tpu.memref_slice %arg4[%add3A_648, %dma_start3A_652, %dma_start3A_653] : memref<16384x20x64xf32, #tpu.memory_space<hbm>> -> memref<1x20x64xf32, #tpu.memory_space<hbm>>
      %dma_start3A_655 = tpu.memref_squeeze %dma_start3A_654 : memref<1x20x64xf32, #tpu.memory_space<hbm>> -> memref<20x64xf32, #tpu.memory_space<hbm>>
      %dma_start3A_656 = arith.constant 0 : i32
      %dma_start3A_657 = arith.constant 0 : i32
      %dma_start3A_658 = tpu.memref_slice %arg4[%add3A_648, %dma_start3A_656, %dma_start3A_657] : memref<16384x20x64xf32, #tpu.memory_space<hbm>> -> memref<1x20x64xf32, #tpu.memory_space<hbm>>
      %dma_start3A_659 = tpu.memref_squeeze %dma_start3A_658 : memref<1x20x64xf32, #tpu.memory_space<hbm>> -> memref<20x64xf32, #tpu.memory_space<hbm>>
      %dma_start3A_660 = arith.constant 280 : i32
      %dma_start3A_661 = arith.constant 0 : i32
      %dma_start3A_662 = tpu.memref_slice %arg7[%dma_start3A_660, %dma_start3A_661] : memref<320x64xf32, #tpu.memory_space<vmem>> -> memref<20x64xf32, #tpu.memory_space<vmem>>
      tpu.enqueue_dma source(%dma_start3A_662 : memref<20x64xf32, #tpu.memory_space<vmem>>) target(%dma_start3A_659 : memref<20x64xf32, #tpu.memory_space<hbm>>) target_semaphore(%arg13 : memref<!tpu.dma_semaphore, #tpu.memory_space<semaphore_mem>>)
      %add3A_663 = arith.constant 15 : i32
      %add3A_664 = arith.addi %add3A_301, %add3A_663 : i32
      %dma_start3A_665 = arith.constant 300 : i32
      %dma_start3A_666 = arith.constant 0 : i32
      %dma_start3A_667 = tpu.memref_slice %arg7[%dma_start3A_665, %dma_start3A_666] : memref<320x64xf32, #tpu.memory_space<vmem>> -> memref<20x64xf32, #tpu.memory_space<vmem>>
      %dma_start3A_668 = arith.constant 0 : i32
      %dma_start3A_669 = arith.constant 0 : i32
      %dma_start3A_670 = tpu.memref_slice %arg4[%add3A_664, %dma_start3A_668, %dma_start3A_669] : memref<16384x20x64xf32, #tpu.memory_space<hbm>> -> memref<1x20x64xf32, #tpu.memory_space<hbm>>
      %dma_start3A_671 = tpu.memref_squeeze %dma_start3A_670 : memref<1x20x64xf32, #tpu.memory_space<hbm>> -> memref<20x64xf32, #tpu.memory_space<hbm>>
      %dma_start3A_672 = arith.constant 0 : i32
      %dma_start3A_673 = arith.constant 0 : i32
      %dma_start3A_674 = tpu.memref_slice %arg4[%add3A_664, %dma_start3A_672, %dma_start3A_673] : memref<16384x20x64xf32, #tpu.memory_space<hbm>> -> memref<1x20x64xf32, #tpu.memory_space<hbm>>
      %dma_start3A_675 = tpu.memref_squeeze %dma_start3A_674 : memref<1x20x64xf32, #tpu.memory_space<hbm>> -> memref<20x64xf32, #tpu.memory_space<hbm>>
      %dma_start3A_676 = arith.constant 300 : i32
      %dma_start3A_677 = arith.constant 0 : i32
      %dma_start3A_678 = tpu.memref_slice %arg7[%dma_start3A_676, %dma_start3A_677] : memref<320x64xf32, #tpu.memory_space<vmem>> -> memref<20x64xf32, #tpu.memory_space<vmem>>
      tpu.enqueue_dma source(%dma_start3A_678 : memref<20x64xf32, #tpu.memory_space<vmem>>) target(%dma_start3A_675 : memref<20x64xf32, #tpu.memory_space<hbm>>) target_semaphore(%arg13 : memref<!tpu.dma_semaphore, #tpu.memory_space<semaphore_mem>>)
    }
    %scan3A_58 = arith.constant 32 : i32
    %dma_wait3A = arith.constant 0 : i32
    %dma_wait3A_59 = arith.constant 0 : i32
    %dma_wait3A_60 = arith.constant 0 : i32
    %dma_wait3A_61 = tpu.memref_slice %arg7[%dma_wait3A_59, %dma_wait3A_60] : memref<320x64xf32, #tpu.memory_space<vmem>> -> memref<20x64xf32, #tpu.memory_space<vmem>>
    %dma_wait3A_62 = arith.constant 0 : i32
    %dma_wait3A_63 = arith.constant 0 : i32
    %dma_wait3A_64 = tpu.memref_slice %arg4[%dma_wait3A, %dma_wait3A_62, %dma_wait3A_63] : memref<16384x20x64xf32, #tpu.memory_space<hbm>> -> memref<1x20x64xf32, #tpu.memory_space<hbm>>
    %dma_wait3A_65 = tpu.memref_squeeze %dma_wait3A_64 : memref<1x20x64xf32, #tpu.memory_space<hbm>> -> memref<20x64xf32, #tpu.memory_space<hbm>>
    %dma_wait3A_66 = arith.constant 0 : i32
    %dma_wait3A_67 = arith.constant 0 : i32
    %dma_wait3A_68 = tpu.memref_slice %arg4[%dma_wait3A, %dma_wait3A_66, %dma_wait3A_67] : memref<16384x20x64xf32, #tpu.memory_space<hbm>> -> memref<1x20x64xf32, #tpu.memory_space<hbm>>
    %dma_wait3A_69 = tpu.memref_squeeze %dma_wait3A_68 : memref<1x20x64xf32, #tpu.memory_space<hbm>> -> memref<20x64xf32, #tpu.memory_space<hbm>>
    %dma_wait3A_70 = arith.constant 0 : i32
    %dma_wait3A_71 = arith.constant 0 : i32
    %dma_wait3A_72 = tpu.memref_slice %arg7[%dma_wait3A_70, %dma_wait3A_71] : memref<320x64xf32, #tpu.memory_space<vmem>> -> memref<20x64xf32, #tpu.memory_space<vmem>>
    tpu.wait_dma2 semaphore(%arg13 : memref<!tpu.dma_semaphore, #tpu.memory_space<semaphore_mem>>) src(%dma_wait3A_72 : memref<20x64xf32, #tpu.memory_space<vmem>>) dst(%dma_wait3A_69 : memref<20x64xf32, #tpu.memory_space<hbm>>)
    %dma_wait3A_73 = arith.constant 0 : i32
    %dma_wait3A_74 = arith.constant 20 : i32
    %dma_wait3A_75 = arith.constant 0 : i32
    %dma_wait3A_76 = tpu.memref_slice %arg7[%dma_wait3A_74, %dma_wait3A_75] : memref<320x64xf32, #tpu.memory_space<vmem>> -> memref<20x64xf32, #tpu.memory_space<vmem>>
    %dma_wait3A_77 = arith.constant 0 : i32
    %dma_wait3A_78 = arith.constant 0 : i32
    %dma_wait3A_79 = tpu.memref_slice %arg4[%dma_wait3A_73, %dma_wait3A_77, %dma_wait3A_78] : memref<16384x20x64xf32, #tpu.memory_space<hbm>> -> memref<1x20x64xf32, #tpu.memory_space<hbm>>
    %dma_wait3A_80 = tpu.memref_squeeze %dma_wait3A_79 : memref<1x20x64xf32, #tpu.memory_space<hbm>> -> memref<20x64xf32, #tpu.memory_space<hbm>>
    %dma_wait3A_81 = arith.constant 0 : i32
    %dma_wait3A_82 = arith.constant 0 : i32
    %dma_wait3A_83 = tpu.memref_slice %arg4[%dma_wait3A_73, %dma_wait3A_81, %dma_wait3A_82] : memref<16384x20x64xf32, #tpu.memory_space<hbm>> -> memref<1x20x64xf32, #tpu.memory_space<hbm>>
    %dma_wait3A_84 = tpu.memref_squeeze %dma_wait3A_83 : memref<1x20x64xf32, #tpu.memory_space<hbm>> -> memref<20x64xf32, #tpu.memory_space<hbm>>
    %dma_wait3A_85 = arith.constant 20 : i32
    %dma_wait3A_86 = arith.constant 0 : i32
    %dma_wait3A_87 = tpu.memref_slice %arg7[%dma_wait3A_85, %dma_wait3A_86] : memref<320x64xf32, #tpu.memory_space<vmem>> -> memref<20x64xf32, #tpu.memory_space<vmem>>
    tpu.wait_dma2 semaphore(%arg13 : memref<!tpu.dma_semaphore, #tpu.memory_space<semaphore_mem>>) src(%dma_wait3A_87 : memref<20x64xf32, #tpu.memory_space<vmem>>) dst(%dma_wait3A_84 : memref<20x64xf32, #tpu.memory_space<hbm>>)
    %dma_wait3A_88 = arith.constant 0 : i32
    %dma_wait3A_89 = arith.constant 40 : i32
    %dma_wait3A_90 = arith.constant 0 : i32
    %dma_wait3A_91 = tpu.memref_slice %arg7[%dma_wait3A_89, %dma_wait3A_90] : memref<320x64xf32, #tpu.memory_space<vmem>> -> memref<20x64xf32, #tpu.memory_space<vmem>>
    %dma_wait3A_92 = arith.constant 0 : i32
    %dma_wait3A_93 = arith.constant 0 : i32
    %dma_wait3A_94 = tpu.memref_slice %arg4[%dma_wait3A_88, %dma_wait3A_92, %dma_wait3A_93] : memref<16384x20x64xf32, #tpu.memory_space<hbm>> -> memref<1x20x64xf32, #tpu.memory_space<hbm>>
    %dma_wait3A_95 = tpu.memref_squeeze %dma_wait3A_94 : memref<1x20x64xf32, #tpu.memory_space<hbm>> -> memref<20x64xf32, #tpu.memory_space<hbm>>
    %dma_wait3A_96 = arith.constant 0 : i32
    %dma_wait3A_97 = arith.constant 0 : i32
    %dma_wait3A_98 = tpu.memref_slice %arg4[%dma_wait3A_88, %dma_wait3A_96, %dma_wait3A_97] : memref<16384x20x64xf32, #tpu.memory_space<hbm>> -> memref<1x20x64xf32, #tpu.memory_space<hbm>>
    %dma_wait3A_99 = tpu.memref_squeeze %dma_wait3A_98 : memref<1x20x64xf32, #tpu.memory_space<hbm>> -> memref<20x64xf32, #tpu.memory_space<hbm>>
    %dma_wait3A_100 = arith.constant 40 : i32
    %dma_wait3A_101 = arith.constant 0 : i32
    %dma_wait3A_102 = tpu.memref_slice %arg7[%dma_wait3A_100, %dma_wait3A_101] : memref<320x64xf32, #tpu.memory_space<vmem>> -> memref<20x64xf32, #tpu.memory_space<vmem>>
    tpu.wait_dma2 semaphore(%arg13 : memref<!tpu.dma_semaphore, #tpu.memory_space<semaphore_mem>>) src(%dma_wait3A_102 : memref<20x64xf32, #tpu.memory_space<vmem>>) dst(%dma_wait3A_99 : memref<20x64xf32, #tpu.memory_space<hbm>>)
    %dma_wait3A_103 = arith.constant 0 : i32
    %dma_wait3A_104 = arith.constant 60 : i32
    %dma_wait3A_105 = arith.constant 0 : i32
    %dma_wait3A_106 = tpu.memref_slice %arg7[%dma_wait3A_104, %dma_wait3A_105] : memref<320x64xf32, #tpu.memory_space<vmem>> -> memref<20x64xf32, #tpu.memory_space<vmem>>
    %dma_wait3A_107 = arith.constant 0 : i32
    %dma_wait3A_108 = arith.constant 0 : i32
    %dma_wait3A_109 = tpu.memref_slice %arg4[%dma_wait3A_103, %dma_wait3A_107, %dma_wait3A_108] : memref<16384x20x64xf32, #tpu.memory_space<hbm>> -> memref<1x20x64xf32, #tpu.memory_space<hbm>>
    %dma_wait3A_110 = tpu.memref_squeeze %dma_wait3A_109 : memref<1x20x64xf32, #tpu.memory_space<hbm>> -> memref<20x64xf32, #tpu.memory_space<hbm>>
    %dma_wait3A_111 = arith.constant 0 : i32
    %dma_wait3A_112 = arith.constant 0 : i32
    %dma_wait3A_113 = tpu.memref_slice %arg4[%dma_wait3A_103, %dma_wait3A_111, %dma_wait3A_112] : memref<16384x20x64xf32, #tpu.memory_space<hbm>> -> memref<1x20x64xf32, #tpu.memory_space<hbm>>
    %dma_wait3A_114 = tpu.memref_squeeze %dma_wait3A_113 : memref<1x20x64xf32, #tpu.memory_space<hbm>> -> memref<20x64xf32, #tpu.memory_space<hbm>>
    %dma_wait3A_115 = arith.constant 60 : i32
    %dma_wait3A_116 = arith.constant 0 : i32
    %dma_wait3A_117 = tpu.memref_slice %arg7[%dma_wait3A_115, %dma_wait3A_116] : memref<320x64xf32, #tpu.memory_space<vmem>> -> memref<20x64xf32, #tpu.memory_space<vmem>>
    tpu.wait_dma2 semaphore(%arg13 : memref<!tpu.dma_semaphore, #tpu.memory_space<semaphore_mem>>) src(%dma_wait3A_117 : memref<20x64xf32, #tpu.memory_space<vmem>>) dst(%dma_wait3A_114 : memref<20x64xf32, #tpu.memory_space<hbm>>)
    %dma_wait3A_118 = arith.constant 0 : i32
    %dma_wait3A_119 = arith.constant 80 : i32
    %dma_wait3A_120 = arith.constant 0 : i32
    %dma_wait3A_121 = tpu.memref_slice %arg7[%dma_wait3A_119, %dma_wait3A_120] : memref<320x64xf32, #tpu.memory_space<vmem>> -> memref<20x64xf32, #tpu.memory_space<vmem>>
    %dma_wait3A_122 = arith.constant 0 : i32
    %dma_wait3A_123 = arith.constant 0 : i32
    %dma_wait3A_124 = tpu.memref_slice %arg4[%dma_wait3A_118, %dma_wait3A_122, %dma_wait3A_123] : memref<16384x20x64xf32, #tpu.memory_space<hbm>> -> memref<1x20x64xf32, #tpu.memory_space<hbm>>
    %dma_wait3A_125 = tpu.memref_squeeze %dma_wait3A_124 : memref<1x20x64xf32, #tpu.memory_space<hbm>> -> memref<20x64xf32, #tpu.memory_space<hbm>>
    %dma_wait3A_126 = arith.constant 0 : i32
    %dma_wait3A_127 = arith.constant 0 : i32
    %dma_wait3A_128 = tpu.memref_slice %arg4[%dma_wait3A_118, %dma_wait3A_126, %dma_wait3A_127] : memref<16384x20x64xf32, #tpu.memory_space<hbm>> -> memref<1x20x64xf32, #tpu.memory_space<hbm>>
    %dma_wait3A_129 = tpu.memref_squeeze %dma_wait3A_128 : memref<1x20x64xf32, #tpu.memory_space<hbm>> -> memref<20x64xf32, #tpu.memory_space<hbm>>
    %dma_wait3A_130 = arith.constant 80 : i32
    %dma_wait3A_131 = arith.constant 0 : i32
    %dma_wait3A_132 = tpu.memref_slice %arg7[%dma_wait3A_130, %dma_wait3A_131] : memref<320x64xf32, #tpu.memory_space<vmem>> -> memref<20x64xf32, #tpu.memory_space<vmem>>
    tpu.wait_dma2 semaphore(%arg13 : memref<!tpu.dma_semaphore, #tpu.memory_space<semaphore_mem>>) src(%dma_wait3A_132 : memref<20x64xf32, #tpu.memory_space<vmem>>) dst(%dma_wait3A_129 : memref<20x64xf32, #tpu.memory_space<hbm>>)
    %dma_wait3A_133 = arith.constant 0 : i32
    %dma_wait3A_134 = arith.constant 100 : i32
    %dma_wait3A_135 = arith.constant 0 : i32
    %dma_wait3A_136 = tpu.memref_slice %arg7[%dma_wait3A_134, %dma_wait3A_135] : memref<320x64xf32, #tpu.memory_space<vmem>> -> memref<20x64xf32, #tpu.memory_space<vmem>>
    %dma_wait3A_137 = arith.constant 0 : i32
    %dma_wait3A_138 = arith.constant 0 : i32
    %dma_wait3A_139 = tpu.memref_slice %arg4[%dma_wait3A_133, %dma_wait3A_137, %dma_wait3A_138] : memref<16384x20x64xf32, #tpu.memory_space<hbm>> -> memref<1x20x64xf32, #tpu.memory_space<hbm>>
    %dma_wait3A_140 = tpu.memref_squeeze %dma_wait3A_139 : memref<1x20x64xf32, #tpu.memory_space<hbm>> -> memref<20x64xf32, #tpu.memory_space<hbm>>
    %dma_wait3A_141 = arith.constant 0 : i32
    %dma_wait3A_142 = arith.constant 0 : i32
    %dma_wait3A_143 = tpu.memref_slice %arg4[%dma_wait3A_133, %dma_wait3A_141, %dma_wait3A_142] : memref<16384x20x64xf32, #tpu.memory_space<hbm>> -> memref<1x20x64xf32, #tpu.memory_space<hbm>>
    %dma_wait3A_144 = tpu.memref_squeeze %dma_wait3A_143 : memref<1x20x64xf32, #tpu.memory_space<hbm>> -> memref<20x64xf32, #tpu.memory_space<hbm>>
    %dma_wait3A_145 = arith.constant 100 : i32
    %dma_wait3A_146 = arith.constant 0 : i32
    %dma_wait3A_147 = tpu.memref_slice %arg7[%dma_wait3A_145, %dma_wait3A_146] : memref<320x64xf32, #tpu.memory_space<vmem>> -> memref<20x64xf32, #tpu.memory_space<vmem>>
    tpu.wait_dma2 semaphore(%arg13 : memref<!tpu.dma_semaphore, #tpu.memory_space<semaphore_mem>>) src(%dma_wait3A_147 : memref<20x64xf32, #tpu.memory_space<vmem>>) dst(%dma_wait3A_144 : memref<20x64xf32, #tpu.memory_space<hbm>>)
    %dma_wait3A_148 = arith.constant 0 : i32
    %dma_wait3A_149 = arith.constant 120 : i32
    %dma_wait3A_150 = arith.constant 0 : i32
    %dma_wait3A_151 = tpu.memref_slice %arg7[%dma_wait3A_149, %dma_wait3A_150] : memref<320x64xf32, #tpu.memory_space<vmem>> -> memref<20x64xf32, #tpu.memory_space<vmem>>
    %dma_wait3A_152 = arith.constant 0 : i32
    %dma_wait3A_153 = arith.constant 0 : i32
    %dma_wait3A_154 = tpu.memref_slice %arg4[%dma_wait3A_148, %dma_wait3A_152, %dma_wait3A_153] : memref<16384x20x64xf32, #tpu.memory_space<hbm>> -> memref<1x20x64xf32, #tpu.memory_space<hbm>>
    %dma_wait3A_155 = tpu.memref_squeeze %dma_wait3A_154 : memref<1x20x64xf32, #tpu.memory_space<hbm>> -> memref<20x64xf32, #tpu.memory_space<hbm>>
    %dma_wait3A_156 = arith.constant 0 : i32
    %dma_wait3A_157 = arith.constant 0 : i32
    %dma_wait3A_158 = tpu.memref_slice %arg4[%dma_wait3A_148, %dma_wait3A_156, %dma_wait3A_157] : memref<16384x20x64xf32, #tpu.memory_space<hbm>> -> memref<1x20x64xf32, #tpu.memory_space<hbm>>
    %dma_wait3A_159 = tpu.memref_squeeze %dma_wait3A_158 : memref<1x20x64xf32, #tpu.memory_space<hbm>> -> memref<20x64xf32, #tpu.memory_space<hbm>>
    %dma_wait3A_160 = arith.constant 120 : i32
    %dma_wait3A_161 = arith.constant 0 : i32
    %dma_wait3A_162 = tpu.memref_slice %arg7[%dma_wait3A_160, %dma_wait3A_161] : memref<320x64xf32, #tpu.memory_space<vmem>> -> memref<20x64xf32, #tpu.memory_space<vmem>>
    tpu.wait_dma2 semaphore(%arg13 : memref<!tpu.dma_semaphore, #tpu.memory_space<semaphore_mem>>) src(%dma_wait3A_162 : memref<20x64xf32, #tpu.memory_space<vmem>>) dst(%dma_wait3A_159 : memref<20x64xf32, #tpu.memory_space<hbm>>)
    %dma_wait3A_163 = arith.constant 0 : i32
    %dma_wait3A_164 = arith.constant 140 : i32
    %dma_wait3A_165 = arith.constant 0 : i32
    %dma_wait3A_166 = tpu.memref_slice %arg7[%dma_wait3A_164, %dma_wait3A_165] : memref<320x64xf32, #tpu.memory_space<vmem>> -> memref<20x64xf32, #tpu.memory_space<vmem>>
    %dma_wait3A_167 = arith.constant 0 : i32
    %dma_wait3A_168 = arith.constant 0 : i32
    %dma_wait3A_169 = tpu.memref_slice %arg4[%dma_wait3A_163, %dma_wait3A_167, %dma_wait3A_168] : memref<16384x20x64xf32, #tpu.memory_space<hbm>> -> memref<1x20x64xf32, #tpu.memory_space<hbm>>
    %dma_wait3A_170 = tpu.memref_squeeze %dma_wait3A_169 : memref<1x20x64xf32, #tpu.memory_space<hbm>> -> memref<20x64xf32, #tpu.memory_space<hbm>>
    %dma_wait3A_171 = arith.constant 0 : i32
    %dma_wait3A_172 = arith.constant 0 : i32
    %dma_wait3A_173 = tpu.memref_slice %arg4[%dma_wait3A_163, %dma_wait3A_171, %dma_wait3A_172] : memref<16384x20x64xf32, #tpu.memory_space<hbm>> -> memref<1x20x64xf32, #tpu.memory_space<hbm>>
    %dma_wait3A_174 = tpu.memref_squeeze %dma_wait3A_173 : memref<1x20x64xf32, #tpu.memory_space<hbm>> -> memref<20x64xf32, #tpu.memory_space<hbm>>
    %dma_wait3A_175 = arith.constant 140 : i32
    %dma_wait3A_176 = arith.constant 0 : i32
    %dma_wait3A_177 = tpu.memref_slice %arg7[%dma_wait3A_175, %dma_wait3A_176] : memref<320x64xf32, #tpu.memory_space<vmem>> -> memref<20x64xf32, #tpu.memory_space<vmem>>
    tpu.wait_dma2 semaphore(%arg13 : memref<!tpu.dma_semaphore, #tpu.memory_space<semaphore_mem>>) src(%dma_wait3A_177 : memref<20x64xf32, #tpu.memory_space<vmem>>) dst(%dma_wait3A_174 : memref<20x64xf32, #tpu.memory_space<hbm>>)
    %dma_wait3A_178 = arith.constant 0 : i32
    %dma_wait3A_179 = arith.constant 160 : i32
    %dma_wait3A_180 = arith.constant 0 : i32
    %dma_wait3A_181 = tpu.memref_slice %arg7[%dma_wait3A_179, %dma_wait3A_180] : memref<320x64xf32, #tpu.memory_space<vmem>> -> memref<20x64xf32, #tpu.memory_space<vmem>>
    %dma_wait3A_182 = arith.constant 0 : i32
    %dma_wait3A_183 = arith.constant 0 : i32
    %dma_wait3A_184 = tpu.memref_slice %arg4[%dma_wait3A_178, %dma_wait3A_182, %dma_wait3A_183] : memref<16384x20x64xf32, #tpu.memory_space<hbm>> -> memref<1x20x64xf32, #tpu.memory_space<hbm>>
    %dma_wait3A_185 = tpu.memref_squeeze %dma_wait3A_184 : memref<1x20x64xf32, #tpu.memory_space<hbm>> -> memref<20x64xf32, #tpu.memory_space<hbm>>
    %dma_wait3A_186 = arith.constant 0 : i32
    %dma_wait3A_187 = arith.constant 0 : i32
    %dma_wait3A_188 = tpu.memref_slice %arg4[%dma_wait3A_178, %dma_wait3A_186, %dma_wait3A_187] : memref<16384x20x64xf32, #tpu.memory_space<hbm>> -> memref<1x20x64xf32, #tpu.memory_space<hbm>>
    %dma_wait3A_189 = tpu.memref_squeeze %dma_wait3A_188 : memref<1x20x64xf32, #tpu.memory_space<hbm>> -> memref<20x64xf32, #tpu.memory_space<hbm>>
    %dma_wait3A_190 = arith.constant 160 : i32
    %dma_wait3A_191 = arith.constant 0 : i32
    %dma_wait3A_192 = tpu.memref_slice %arg7[%dma_wait3A_190, %dma_wait3A_191] : memref<320x64xf32, #tpu.memory_space<vmem>> -> memref<20x64xf32, #tpu.memory_space<vmem>>
    tpu.wait_dma2 semaphore(%arg13 : memref<!tpu.dma_semaphore, #tpu.memory_space<semaphore_mem>>) src(%dma_wait3A_192 : memref<20x64xf32, #tpu.memory_space<vmem>>) dst(%dma_wait3A_189 : memref<20x64xf32, #tpu.memory_space<hbm>>)
    %dma_wait3A_193 = arith.constant 0 : i32
    %dma_wait3A_194 = arith.constant 180 : i32
    %dma_wait3A_195 = arith.constant 0 : i32
    %dma_wait3A_196 = tpu.memref_slice %arg7[%dma_wait3A_194, %dma_wait3A_195] : memref<320x64xf32, #tpu.memory_space<vmem>> -> memref<20x64xf32, #tpu.memory_space<vmem>>
    %dma_wait3A_197 = arith.constant 0 : i32
    %dma_wait3A_198 = arith.constant 0 : i32
    %dma_wait3A_199 = tpu.memref_slice %arg4[%dma_wait3A_193, %dma_wait3A_197, %dma_wait3A_198] : memref<16384x20x64xf32, #tpu.memory_space<hbm>> -> memref<1x20x64xf32, #tpu.memory_space<hbm>>
    %dma_wait3A_200 = tpu.memref_squeeze %dma_wait3A_199 : memref<1x20x64xf32, #tpu.memory_space<hbm>> -> memref<20x64xf32, #tpu.memory_space<hbm>>
    %dma_wait3A_201 = arith.constant 0 : i32
    %dma_wait3A_202 = arith.constant 0 : i32
    %dma_wait3A_203 = tpu.memref_slice %arg4[%dma_wait3A_193, %dma_wait3A_201, %dma_wait3A_202] : memref<16384x20x64xf32, #tpu.memory_space<hbm>> -> memref<1x20x64xf32, #tpu.memory_space<hbm>>
    %dma_wait3A_204 = tpu.memref_squeeze %dma_wait3A_203 : memref<1x20x64xf32, #tpu.memory_space<hbm>> -> memref<20x64xf32, #tpu.memory_space<hbm>>
    %dma_wait3A_205 = arith.constant 180 : i32
    %dma_wait3A_206 = arith.constant 0 : i32
    %dma_wait3A_207 = tpu.memref_slice %arg7[%dma_wait3A_205, %dma_wait3A_206] : memref<320x64xf32, #tpu.memory_space<vmem>> -> memref<20x64xf32, #tpu.memory_space<vmem>>
    tpu.wait_dma2 semaphore(%arg13 : memref<!tpu.dma_semaphore, #tpu.memory_space<semaphore_mem>>) src(%dma_wait3A_207 : memref<20x64xf32, #tpu.memory_space<vmem>>) dst(%dma_wait3A_204 : memref<20x64xf32, #tpu.memory_space<hbm>>)
    %dma_wait3A_208 = arith.constant 0 : i32
    %dma_wait3A_209 = arith.constant 200 : i32
    %dma_wait3A_210 = arith.constant 0 : i32
    %dma_wait3A_211 = tpu.memref_slice %arg7[%dma_wait3A_209, %dma_wait3A_210] : memref<320x64xf32, #tpu.memory_space<vmem>> -> memref<20x64xf32, #tpu.memory_space<vmem>>
    %dma_wait3A_212 = arith.constant 0 : i32
    %dma_wait3A_213 = arith.constant 0 : i32
    %dma_wait3A_214 = tpu.memref_slice %arg4[%dma_wait3A_208, %dma_wait3A_212, %dma_wait3A_213] : memref<16384x20x64xf32, #tpu.memory_space<hbm>> -> memref<1x20x64xf32, #tpu.memory_space<hbm>>
    %dma_wait3A_215 = tpu.memref_squeeze %dma_wait3A_214 : memref<1x20x64xf32, #tpu.memory_space<hbm>> -> memref<20x64xf32, #tpu.memory_space<hbm>>
    %dma_wait3A_216 = arith.constant 0 : i32
    %dma_wait3A_217 = arith.constant 0 : i32
    %dma_wait3A_218 = tpu.memref_slice %arg4[%dma_wait3A_208, %dma_wait3A_216, %dma_wait3A_217] : memref<16384x20x64xf32, #tpu.memory_space<hbm>> -> memref<1x20x64xf32, #tpu.memory_space<hbm>>
    %dma_wait3A_219 = tpu.memref_squeeze %dma_wait3A_218 : memref<1x20x64xf32, #tpu.memory_space<hbm>> -> memref<20x64xf32, #tpu.memory_space<hbm>>
    %dma_wait3A_220 = arith.constant 200 : i32
    %dma_wait3A_221 = arith.constant 0 : i32
    %dma_wait3A_222 = tpu.memref_slice %arg7[%dma_wait3A_220, %dma_wait3A_221] : memref<320x64xf32, #tpu.memory_space<vmem>> -> memref<20x64xf32, #tpu.memory_space<vmem>>
    tpu.wait_dma2 semaphore(%arg13 : memref<!tpu.dma_semaphore, #tpu.memory_space<semaphore_mem>>) src(%dma_wait3A_222 : memref<20x64xf32, #tpu.memory_space<vmem>>) dst(%dma_wait3A_219 : memref<20x64xf32, #tpu.memory_space<hbm>>)
    %dma_wait3A_223 = arith.constant 0 : i32
    %dma_wait3A_224 = arith.constant 220 : i32
    %dma_wait3A_225 = arith.constant 0 : i32
    %dma_wait3A_226 = tpu.memref_slice %arg7[%dma_wait3A_224, %dma_wait3A_225] : memref<320x64xf32, #tpu.memory_space<vmem>> -> memref<20x64xf32, #tpu.memory_space<vmem>>
    %dma_wait3A_227 = arith.constant 0 : i32
    %dma_wait3A_228 = arith.constant 0 : i32
    %dma_wait3A_229 = tpu.memref_slice %arg4[%dma_wait3A_223, %dma_wait3A_227, %dma_wait3A_228] : memref<16384x20x64xf32, #tpu.memory_space<hbm>> -> memref<1x20x64xf32, #tpu.memory_space<hbm>>
    %dma_wait3A_230 = tpu.memref_squeeze %dma_wait3A_229 : memref<1x20x64xf32, #tpu.memory_space<hbm>> -> memref<20x64xf32, #tpu.memory_space<hbm>>
    %dma_wait3A_231 = arith.constant 0 : i32
    %dma_wait3A_232 = arith.constant 0 : i32
    %dma_wait3A_233 = tpu.memref_slice %arg4[%dma_wait3A_223, %dma_wait3A_231, %dma_wait3A_232] : memref<16384x20x64xf32, #tpu.memory_space<hbm>> -> memref<1x20x64xf32, #tpu.memory_space<hbm>>
    %dma_wait3A_234 = tpu.memref_squeeze %dma_wait3A_233 : memref<1x20x64xf32, #tpu.memory_space<hbm>> -> memref<20x64xf32, #tpu.memory_space<hbm>>
    %dma_wait3A_235 = arith.constant 220 : i32
    %dma_wait3A_236 = arith.constant 0 : i32
    %dma_wait3A_237 = tpu.memref_slice %arg7[%dma_wait3A_235, %dma_wait3A_236] : memref<320x64xf32, #tpu.memory_space<vmem>> -> memref<20x64xf32, #tpu.memory_space<vmem>>
    tpu.wait_dma2 semaphore(%arg13 : memref<!tpu.dma_semaphore, #tpu.memory_space<semaphore_mem>>) src(%dma_wait3A_237 : memref<20x64xf32, #tpu.memory_space<vmem>>) dst(%dma_wait3A_234 : memref<20x64xf32, #tpu.memory_space<hbm>>)
    %dma_wait3A_238 = arith.constant 0 : i32
    %dma_wait3A_239 = arith.constant 240 : i32
    %dma_wait3A_240 = arith.constant 0 : i32
    %dma_wait3A_241 = tpu.memref_slice %arg7[%dma_wait3A_239, %dma_wait3A_240] : memref<320x64xf32, #tpu.memory_space<vmem>> -> memref<20x64xf32, #tpu.memory_space<vmem>>
    %dma_wait3A_242 = arith.constant 0 : i32
    %dma_wait3A_243 = arith.constant 0 : i32
    %dma_wait3A_244 = tpu.memref_slice %arg4[%dma_wait3A_238, %dma_wait3A_242, %dma_wait3A_243] : memref<16384x20x64xf32, #tpu.memory_space<hbm>> -> memref<1x20x64xf32, #tpu.memory_space<hbm>>
    %dma_wait3A_245 = tpu.memref_squeeze %dma_wait3A_244 : memref<1x20x64xf32, #tpu.memory_space<hbm>> -> memref<20x64xf32, #tpu.memory_space<hbm>>
    %dma_wait3A_246 = arith.constant 0 : i32
    %dma_wait3A_247 = arith.constant 0 : i32
    %dma_wait3A_248 = tpu.memref_slice %arg4[%dma_wait3A_238, %dma_wait3A_246, %dma_wait3A_247] : memref<16384x20x64xf32, #tpu.memory_space<hbm>> -> memref<1x20x64xf32, #tpu.memory_space<hbm>>
    %dma_wait3A_249 = tpu.memref_squeeze %dma_wait3A_248 : memref<1x20x64xf32, #tpu.memory_space<hbm>> -> memref<20x64xf32, #tpu.memory_space<hbm>>
    %dma_wait3A_250 = arith.constant 240 : i32
    %dma_wait3A_251 = arith.constant 0 : i32
    %dma_wait3A_252 = tpu.memref_slice %arg7[%dma_wait3A_250, %dma_wait3A_251] : memref<320x64xf32, #tpu.memory_space<vmem>> -> memref<20x64xf32, #tpu.memory_space<vmem>>
    tpu.wait_dma2 semaphore(%arg13 : memref<!tpu.dma_semaphore, #tpu.memory_space<semaphore_mem>>) src(%dma_wait3A_252 : memref<20x64xf32, #tpu.memory_space<vmem>>) dst(%dma_wait3A_249 : memref<20x64xf32, #tpu.memory_space<hbm>>)
    %dma_wait3A_253 = arith.constant 0 : i32
    %dma_wait3A_254 = arith.constant 260 : i32
    %dma_wait3A_255 = arith.constant 0 : i32
    %dma_wait3A_256 = tpu.memref_slice %arg7[%dma_wait3A_254, %dma_wait3A_255] : memref<320x64xf32, #tpu.memory_space<vmem>> -> memref<20x64xf32, #tpu.memory_space<vmem>>
    %dma_wait3A_257 = arith.constant 0 : i32
    %dma_wait3A_258 = arith.constant 0 : i32
    %dma_wait3A_259 = tpu.memref_slice %arg4[%dma_wait3A_253, %dma_wait3A_257, %dma_wait3A_258] : memref<16384x20x64xf32, #tpu.memory_space<hbm>> -> memref<1x20x64xf32, #tpu.memory_space<hbm>>
    %dma_wait3A_260 = tpu.memref_squeeze %dma_wait3A_259 : memref<1x20x64xf32, #tpu.memory_space<hbm>> -> memref<20x64xf32, #tpu.memory_space<hbm>>
    %dma_wait3A_261 = arith.constant 0 : i32
    %dma_wait3A_262 = arith.constant 0 : i32
    %dma_wait3A_263 = tpu.memref_slice %arg4[%dma_wait3A_253, %dma_wait3A_261, %dma_wait3A_262] : memref<16384x20x64xf32, #tpu.memory_space<hbm>> -> memref<1x20x64xf32, #tpu.memory_space<hbm>>
    %dma_wait3A_264 = tpu.memref_squeeze %dma_wait3A_263 : memref<1x20x64xf32, #tpu.memory_space<hbm>> -> memref<20x64xf32, #tpu.memory_space<hbm>>
    %dma_wait3A_265 = arith.constant 260 : i32
    %dma_wait3A_266 = arith.constant 0 : i32
    %dma_wait3A_267 = tpu.memref_slice %arg7[%dma_wait3A_265, %dma_wait3A_266] : memref<320x64xf32, #tpu.memory_space<vmem>> -> memref<20x64xf32, #tpu.memory_space<vmem>>
    tpu.wait_dma2 semaphore(%arg13 : memref<!tpu.dma_semaphore, #tpu.memory_space<semaphore_mem>>) src(%dma_wait3A_267 : memref<20x64xf32, #tpu.memory_space<vmem>>) dst(%dma_wait3A_264 : memref<20x64xf32, #tpu.memory_space<hbm>>)
    %dma_wait3A_268 = arith.constant 0 : i32
    %dma_wait3A_269 = arith.constant 280 : i32
    %dma_wait3A_270 = arith.constant 0 : i32
    %dma_wait3A_271 = tpu.memref_slice %arg7[%dma_wait3A_269, %dma_wait3A_270] : memref<320x64xf32, #tpu.memory_space<vmem>> -> memref<20x64xf32, #tpu.memory_space<vmem>>
    %dma_wait3A_272 = arith.constant 0 : i32
    %dma_wait3A_273 = arith.constant 0 : i32
    %dma_wait3A_274 = tpu.memref_slice %arg4[%dma_wait3A_268, %dma_wait3A_272, %dma_wait3A_273] : memref<16384x20x64xf32, #tpu.memory_space<hbm>> -> memref<1x20x64xf32, #tpu.memory_space<hbm>>
    %dma_wait3A_275 = tpu.memref_squeeze %dma_wait3A_274 : memref<1x20x64xf32, #tpu.memory_space<hbm>> -> memref<20x64xf32, #tpu.memory_space<hbm>>
    %dma_wait3A_276 = arith.constant 0 : i32
    %dma_wait3A_277 = arith.constant 0 : i32
    %dma_wait3A_278 = tpu.memref_slice %arg4[%dma_wait3A_268, %dma_wait3A_276, %dma_wait3A_277] : memref<16384x20x64xf32, #tpu.memory_space<hbm>> -> memref<1x20x64xf32, #tpu.memory_space<hbm>>
    %dma_wait3A_279 = tpu.memref_squeeze %dma_wait3A_278 : memref<1x20x64xf32, #tpu.memory_space<hbm>> -> memref<20x64xf32, #tpu.memory_space<hbm>>
    %dma_wait3A_280 = arith.constant 280 : i32
    %dma_wait3A_281 = arith.constant 0 : i32
    %dma_wait3A_282 = tpu.memref_slice %arg7[%dma_wait3A_280, %dma_wait3A_281] : memref<320x64xf32, #tpu.memory_space<vmem>> -> memref<20x64xf32, #tpu.memory_space<vmem>>
    tpu.wait_dma2 semaphore(%arg13 : memref<!tpu.dma_semaphore, #tpu.memory_space<semaphore_mem>>) src(%dma_wait3A_282 : memref<20x64xf32, #tpu.memory_space<vmem>>) dst(%dma_wait3A_279 : memref<20x64xf32, #tpu.memory_space<hbm>>)
    %dma_wait3A_283 = arith.constant 0 : i32
    %dma_wait3A_284 = arith.constant 300 : i32
    %dma_wait3A_285 = arith.constant 0 : i32
    %dma_wait3A_286 = tpu.memref_slice %arg7[%dma_wait3A_284, %dma_wait3A_285] : memref<320x64xf32, #tpu.memory_space<vmem>> -> memref<20x64xf32, #tpu.memory_space<vmem>>
    %dma_wait3A_287 = arith.constant 0 : i32
    %dma_wait3A_288 = arith.constant 0 : i32
    %dma_wait3A_289 = tpu.memref_slice %arg4[%dma_wait3A_283, %dma_wait3A_287, %dma_wait3A_288] : memref<16384x20x64xf32, #tpu.memory_space<hbm>> -> memref<1x20x64xf32, #tpu.memory_space<hbm>>
    %dma_wait3A_290 = tpu.memref_squeeze %dma_wait3A_289 : memref<1x20x64xf32, #tpu.memory_space<hbm>> -> memref<20x64xf32, #tpu.memory_space<hbm>>
    %dma_wait3A_291 = arith.constant 0 : i32
    %dma_wait3A_292 = arith.constant 0 : i32
    %dma_wait3A_293 = tpu.memref_slice %arg4[%dma_wait3A_283, %dma_wait3A_291, %dma_wait3A_292] : memref<16384x20x64xf32, #tpu.memory_space<hbm>> -> memref<1x20x64xf32, #tpu.memory_space<hbm>>
    %dma_wait3A_294 = tpu.memref_squeeze %dma_wait3A_293 : memref<1x20x64xf32, #tpu.memory_space<hbm>> -> memref<20x64xf32, #tpu.memory_space<hbm>>
    %dma_wait3A_295 = arith.constant 300 : i32
    %dma_wait3A_296 = arith.constant 0 : i32
    %dma_wait3A_297 = tpu.memref_slice %arg7[%dma_wait3A_295, %dma_wait3A_296] : memref<320x64xf32, #tpu.memory_space<vmem>> -> memref<20x64xf32, #tpu.memory_space<vmem>>
    tpu.wait_dma2 semaphore(%arg13 : memref<!tpu.dma_semaphore, #tpu.memory_space<semaphore_mem>>) src(%dma_wait3A_297 : memref<20x64xf32, #tpu.memory_space<vmem>>) dst(%dma_wait3A_294 : memref<20x64xf32, #tpu.memory_space<hbm>>)
    return
  }
}

#map = affine_map<(d0, d1) -> (0, 0)>
module attributes {stable_mosaic.version = 14 : i64} {
  func.func @_flatten_sc(%arg0: i32, %arg1: i32, %arg2: memref<16384x20xi32, #tpu.memory_space<hbm>>, %arg3: memref<5120x64xi32, #tpu.memory_space<hbm>>, %arg4: memref<512x20xi32, #tpu.memory_space<vmem>>, %arg5: memref<160x64xi32, #tpu.memory_space<vmem>>) attributes {dimension_semantics = [#tpu.dimension_semantics<core_parallel>, #tpu.dimension_semantics<subcore_parallel>], iteration_bounds = array<i64: 2, 16>, scalar_prefetch = 0 : i64, scratch_operands = 2 : i64, tpu.core_type = #tpu.core_type<sc_vector_subcore>, window_params = [{transform_indices = #map}, {transform_indices = #map}]} {
    %mul3A = arith.constant 2 : i32
    %mul3A_0 = arith.muli %arg1, %mul3A : i32
    %add3A = arith.addi %mul3A_0, %arg0 : i32
    %mul3A_1 = arith.constant 512 : i32
    %mul3A_2 = arith.muli %add3A, %mul3A_1 : i32
    "tpu.region"() ({
      %run_scoped3A = tpu.sem_alloc : memref<!tpu.dma_semaphore, #tpu.memory_space<semaphore_mem>>
      %dma_start3A = arith.constant 0 : i32
      %dma_start3A_10 = tpu.memref_slice %arg2[%mul3A_2, %dma_start3A] : memref<16384x20xi32, #tpu.memory_space<hbm>> -> memref<512x20xi32, #tpu.memory_space<hbm>>
      %dma_start3A_11 = arith.constant 0 : i32
      %dma_start3A_12 = tpu.memref_slice %arg2[%mul3A_2, %dma_start3A_11] : memref<16384x20xi32, #tpu.memory_space<hbm>> -> memref<512x20xi32, #tpu.memory_space<hbm>>
      tpu.enqueue_dma source(%dma_start3A_12 : memref<512x20xi32, #tpu.memory_space<hbm>>) target(%arg4 : memref<512x20xi32, #tpu.memory_space<vmem>>) target_semaphore(%run_scoped3A : memref<!tpu.dma_semaphore, #tpu.memory_space<semaphore_mem>>)
      %dma_wait3A = arith.constant 0 : i32
      %dma_wait3A_13 = tpu.memref_slice %arg2[%mul3A_2, %dma_wait3A] : memref<16384x20xi32, #tpu.memory_space<hbm>> -> memref<512x20xi32, #tpu.memory_space<hbm>>
      %dma_wait3A_14 = arith.constant 0 : i32
      %dma_wait3A_15 = tpu.memref_slice %arg2[%mul3A_2, %dma_wait3A_14] : memref<16384x20xi32, #tpu.memory_space<hbm>> -> memref<512x20xi32, #tpu.memory_space<hbm>>
      tpu.wait_dma2 semaphore(%run_scoped3A : memref<!tpu.dma_semaphore, #tpu.memory_space<semaphore_mem>>) src(%dma_wait3A_15 : memref<512x20xi32, #tpu.memory_space<hbm>>) dst(%arg4 : memref<512x20xi32, #tpu.memory_space<vmem>>)
      tpu.yield
    }) : () -> ()
    %scan3A = arith.constant 0 : i32
    %scan3A_3 = arith.constant 0 : i32
    %scan3A_4 = arith.constant 512 : i32
    %scan3A_5 = arith.addi %scan3A_3, %scan3A_4 : i32
    %scan3A_6 = arith.constant 1 : i32
    scf.for %scan3A_10 = %scan3A_3 to %scan3A_5 step %scan3A_6  : i32 {
      %iota3A = tpu.iota {dimensions = array<i32: 0>} : vector<16xi32>
      %mul3A_11 = arith.constant 20 : i32
      %mul3A_12 = arith.muli %scan3A_10, %mul3A_11 : i32
      %add3A_13 = vector.broadcast %mul3A_12 : i32 to vector<16xi32>
      %add3A_14 = arith.addi %add3A_13, %iota3A : vector<16xi32>
      %get3A = arith.index_cast %scan3A_10 : i32 to index
      %get3A_15 = arith.constant 0 : index
      %get3A_16 = tpu.vector_load %arg4[%get3A, %get3A_15] {strides = array<i32>} : memref<512x20xi32, #tpu.memory_space<vmem>>, vector<16xi32>,
      %jit3A = arith.constant 64 : i32
      %div3A = vector.broadcast %jit3A : i32 to vector<16xi32>
      %div3A_17 = arith.divsi %add3A_14, %div3A : vector<16xi32>
      %sign3A = arith.constant 0 : i32
      %sign3A_18 = vector.broadcast %sign3A : i32 to vector<16xi32>
      %sign3A_19 = arith.cmpi sgt, %add3A_14, %sign3A_18 : vector<16xi32>
      %sign3A_20 = arith.extui %sign3A_19 : vector<16xi1> to vector<16xi32>
      %sign3A_21 = arith.constant 0 : i32
      %sign3A_22 = vector.broadcast %sign3A_21 : i32 to vector<16xi32>
      %sign3A_23 = arith.cmpi slt, %add3A_14, %sign3A_22 : vector<16xi32>
      %sign3A_24 = arith.extui %sign3A_23 : vector<16xi1> to vector<16xi32>
      %sign3A_25 = arith.subi %sign3A_20, %sign3A_24 : vector<16xi32>
      %sign3A_26 = arith.constant 0 : i32
      %sign3A_27 = arith.cmpi sgt, %jit3A, %sign3A_26 : i32
      %sign3A_28 = arith.extui %sign3A_27 : i1 to i32
      %sign3A_29 = arith.constant 0 : i32
      %sign3A_30 = arith.cmpi slt, %jit3A, %sign3A_29 : i32
      %sign3A_31 = arith.extui %sign3A_30 : i1 to i32
      %sign3A_32 = arith.subi %sign3A_28, %sign3A_31 : i32
      %ne3A = vector.broadcast %sign3A_32 : i32 to vector<16xi32>
      %ne3A_33 = arith.cmpi ne, %sign3A_25, %ne3A : vector<16xi32>
      %rem3A = vector.broadcast %jit3A : i32 to vector<16xi32>
      %rem3A_34 = arith.remsi %add3A_14, %rem3A : vector<16xi32>
      %ne3A_35 = arith.constant 0 : i32
      %ne3A_36 = vector.broadcast %ne3A_35 : i32 to vector<16xi32>
      %ne3A_37 = arith.cmpi ne, %rem3A_34, %ne3A_36 : vector<16xi32>
      %and3A = arith.andi %ne3A_33, %ne3A_37 : vector<16xi1>
      %sub3A = arith.constant 1 : i32
      %sub3A_38 = vector.broadcast %sub3A : i32 to vector<16xi32>
      %sub3A_39 = arith.subi %div3A_17, %sub3A_38 : vector<16xi32>
      %select_n3A = arith.select %and3A, %sub3A_39, %div3A_17 : vector<16xi1>, vector<16xi32>
      %jit3A_40 = arith.constant 64 : i32
      %eq3A = arith.constant 0 : i32
      %eq3A_41 = arith.cmpi eq, %jit3A_40, %eq3A : i32
      %jit3A_42 = arith.constant 1 : i32
      %select_n3A_43 = arith.select %eq3A_41, %jit3A_42, %jit3A_40 : i32
      %rem3A_44 = vector.broadcast %select_n3A_43 : i32 to vector<16xi32>
      %rem3A_45 = arith.remsi %add3A_14, %rem3A_44 : vector<16xi32>
      %ne3A_46 = arith.constant 0 : i32
      %ne3A_47 = vector.broadcast %ne3A_46 : i32 to vector<16xi32>
      %ne3A_48 = arith.cmpi ne, %rem3A_45, %ne3A_47 : vector<16xi32>
      %lt3A = arith.constant 0 : i32
      %lt3A_49 = vector.broadcast %lt3A : i32 to vector<16xi32>
      %lt3A_50 = arith.cmpi slt, %rem3A_45, %lt3A_49 : vector<16xi32>
      %lt3A_51 = arith.constant 0 : i32
      %lt3A_52 = arith.cmpi slt, %select_n3A_43, %lt3A_51 : i32
      %ne3A_53 = vector.broadcast %lt3A_52 : i1 to vector<16xi1>
      %ne3A_54 = vector.broadcast %ne3A_53 : vector<16xi1> to vector<16xi1>
      %ne3A_55 = arith.xori %lt3A_50, %ne3A_54 : vector<16xi1>
      %and3A_56 = arith.andi %ne3A_55, %ne3A_48 : vector<16xi1>
      %add3A_57 = vector.broadcast %select_n3A_43 : i32 to vector<16xi32>
      %add3A_58 = arith.addi %rem3A_45, %add3A_57 : vector<16xi32>
      %select_n3A_59 = arith.select %and3A_56, %add3A_58, %rem3A_45 : vector<16xi1>, vector<16xi32>
      tpu.vector_store_idx %arg5[%select_n3A, %select_n3A_59], %get3A_16 : memref<160x64xi32, #tpu.memory_space<vmem>>[vector<16xi32>, vector<16xi32>], vector<16xi32>,
      %add3A_60 = arith.constant 4 : i32
      %add3A_61 = vector.broadcast %add3A_60 : i32 to vector<16xi32>
      %add3A_62 = arith.addi %add3A_14, %add3A_61 : vector<16xi32>
      %get3A_63 = arith.index_cast %scan3A_10 : i32 to index
      %get3A_64 = arith.constant 4 : index
      %get3A_65 = tpu.vector_load %arg4[%get3A_63, %get3A_64] {strides = array<i32>} : memref<512x20xi32, #tpu.memory_space<vmem>>, vector<16xi32>,
      %jit3A_66 = arith.constant 64 : i32
      %div3A_67 = vector.broadcast %jit3A_66 : i32 to vector<16xi32>
      %div3A_68 = arith.divsi %add3A_62, %div3A_67 : vector<16xi32>
      %sign3A_69 = arith.constant 0 : i32
      %sign3A_70 = vector.broadcast %sign3A_69 : i32 to vector<16xi32>
      %sign3A_71 = arith.cmpi sgt, %add3A_62, %sign3A_70 : vector<16xi32>
      %sign3A_72 = arith.extui %sign3A_71 : vector<16xi1> to vector<16xi32>
      %sign3A_73 = arith.constant 0 : i32
      %sign3A_74 = vector.broadcast %sign3A_73 : i32 to vector<16xi32>
      %sign3A_75 = arith.cmpi slt, %add3A_62, %sign3A_74 : vector<16xi32>
      %sign3A_76 = arith.extui %sign3A_75 : vector<16xi1> to vector<16xi32>
      %sign3A_77 = arith.subi %sign3A_72, %sign3A_76 : vector<16xi32>
      %sign3A_78 = arith.constant 0 : i32
      %sign3A_79 = arith.cmpi sgt, %jit3A_66, %sign3A_78 : i32
      %sign3A_80 = arith.extui %sign3A_79 : i1 to i32
      %sign3A_81 = arith.constant 0 : i32
      %sign3A_82 = arith.cmpi slt, %jit3A_66, %sign3A_81 : i32
      %sign3A_83 = arith.extui %sign3A_82 : i1 to i32
      %sign3A_84 = arith.subi %sign3A_80, %sign3A_83 : i32
      %ne3A_85 = vector.broadcast %sign3A_84 : i32 to vector<16xi32>
      %ne3A_86 = arith.cmpi ne, %sign3A_77, %ne3A_85 : vector<16xi32>
      %rem3A_87 = vector.broadcast %jit3A_66 : i32 to vector<16xi32>
      %rem3A_88 = arith.remsi %add3A_62, %rem3A_87 : vector<16xi32>
      %ne3A_89 = arith.constant 0 : i32
      %ne3A_90 = vector.broadcast %ne3A_89 : i32 to vector<16xi32>
      %ne3A_91 = arith.cmpi ne, %rem3A_88, %ne3A_90 : vector<16xi32>
      %and3A_92 = arith.andi %ne3A_86, %ne3A_91 : vector<16xi1>
      %sub3A_93 = arith.constant 1 : i32
      %sub3A_94 = vector.broadcast %sub3A_93 : i32 to vector<16xi32>
      %sub3A_95 = arith.subi %div3A_68, %sub3A_94 : vector<16xi32>
      %select_n3A_96 = arith.select %and3A_92, %sub3A_95, %div3A_68 : vector<16xi1>, vector<16xi32>
      %jit3A_97 = arith.constant 64 : i32
      %eq3A_98 = arith.constant 0 : i32
      %eq3A_99 = arith.cmpi eq, %jit3A_97, %eq3A_98 : i32
      %jit3A_100 = arith.constant 1 : i32
      %select_n3A_101 = arith.select %eq3A_99, %jit3A_100, %jit3A_97 : i32
      %rem3A_102 = vector.broadcast %select_n3A_101 : i32 to vector<16xi32>
      %rem3A_103 = arith.remsi %add3A_62, %rem3A_102 : vector<16xi32>
      %ne3A_104 = arith.constant 0 : i32
      %ne3A_105 = vector.broadcast %ne3A_104 : i32 to vector<16xi32>
      %ne3A_106 = arith.cmpi ne, %rem3A_103, %ne3A_105 : vector<16xi32>
      %lt3A_107 = arith.constant 0 : i32
      %lt3A_108 = vector.broadcast %lt3A_107 : i32 to vector<16xi32>
      %lt3A_109 = arith.cmpi slt, %rem3A_103, %lt3A_108 : vector<16xi32>
      %lt3A_110 = arith.constant 0 : i32
      %lt3A_111 = arith.cmpi slt, %select_n3A_101, %lt3A_110 : i32
      %ne3A_112 = vector.broadcast %lt3A_111 : i1 to vector<16xi1>
      %ne3A_113 = vector.broadcast %ne3A_112 : vector<16xi1> to vector<16xi1>
      %ne3A_114 = arith.xori %lt3A_109, %ne3A_113 : vector<16xi1>
      %and3A_115 = arith.andi %ne3A_114, %ne3A_106 : vector<16xi1>
      %add3A_116 = vector.broadcast %select_n3A_101 : i32 to vector<16xi32>
      %add3A_117 = arith.addi %rem3A_103, %add3A_116 : vector<16xi32>
      %select_n3A_118 = arith.select %and3A_115, %add3A_117, %rem3A_103 : vector<16xi1>, vector<16xi32>
      %ge3A = arith.constant 12 : i32
      %ge3A_119 = vector.broadcast %ge3A : i32 to vector<16xi32>
      %ge3A_120 = arith.cmpi sge, %iota3A, %ge3A_119 : vector<16xi32>
      tpu.vector_store_idx %arg5[%select_n3A_96, %select_n3A_118], %get3A_65 masked %ge3A_120 : memref<160x64xi32, #tpu.memory_space<vmem>>[vector<16xi32>, vector<16xi32>], vector<16xi32>, vector<16xi1>
    }
    %scan3A_7 = arith.constant 512 : i32
    %mul3A_8 = arith.constant 160 : i32
    %mul3A_9 = arith.muli %add3A, %mul3A_8 : i32
    "tpu.region"() ({
      %run_scoped3A = tpu.sem_alloc : memref<!tpu.dma_semaphore, #tpu.memory_space<semaphore_mem>>
      %dma_start3A = arith.constant 0 : i32
      %dma_start3A_10 = tpu.memref_slice %arg3[%mul3A_9, %dma_start3A] : memref<5120x64xi32, #tpu.memory_space<hbm>> -> memref<160x64xi32, #tpu.memory_space<hbm>>
      %dma_start3A_11 = arith.constant 0 : i32
      %dma_start3A_12 = tpu.memref_slice %arg3[%mul3A_9, %dma_start3A_11] : memref<5120x64xi32, #tpu.memory_space<hbm>> -> memref<160x64xi32, #tpu.memory_space<hbm>>
      tpu.enqueue_dma source(%arg5 : memref<160x64xi32, #tpu.memory_space<vmem>>) target(%dma_start3A_12 : memref<160x64xi32, #tpu.memory_space<hbm>>) target_semaphore(%run_scoped3A : memref<!tpu.dma_semaphore, #tpu.memory_space<semaphore_mem>>)
      %dma_wait3A = arith.constant 0 : i32
      %dma_wait3A_13 = tpu.memref_slice %arg3[%mul3A_9, %dma_wait3A] : memref<5120x64xi32, #tpu.memory_space<hbm>> -> memref<160x64xi32, #tpu.memory_space<hbm>>
      %dma_wait3A_14 = arith.constant 0 : i32
      %dma_wait3A_15 = tpu.memref_slice %arg3[%mul3A_9, %dma_wait3A_14] : memref<5120x64xi32, #tpu.memory_space<hbm>> -> memref<160x64xi32, #tpu.memory_space<hbm>>
      tpu.wait_dma2 semaphore(%run_scoped3A : memref<!tpu.dma_semaphore, #tpu.memory_space<semaphore_mem>>) src(%arg5 : memref<160x64xi32, #tpu.memory_space<vmem>>) dst(%dma_wait3A_15 : memref<160x64xi32, #tpu.memory_space<hbm>>)
      tpu.yield
    }) : () -> ()
    return
  }
}

module attributes {stable_mosaic.version = 14 : i64} {
  func.func @_pad_transpose_tc(%arg0: i32, %arg1: memref<64x8192xf32, #tpu.memory_space<vmem>>, %arg2: memref<8192x128xf32, #tpu.memory_space<vmem>>) attributes {dimension_semantics = [#tpu.dimension_semantics<arbitrary>], iteration_bounds = array<i64: 123>, scalar_prefetch = 0 : i64, scratch_operands = 0 : i64, tpu.core_type = #tpu.core_type<tc>, window_params = [{transform_indices = @transform_0, window_bounds = array<i64: 64, 8192>}, {transform_indices = @transform_1, window_bounds = array<i64: 8192, 128>}]} {
    %get3A = arith.constant 0 : index
    %get3A_0 = arith.constant 0 : index
    %get3A_1 = vector.load %arg1[%get3A, %get3A_0] : memref<64x8192xf32, #tpu.memory_space<vmem>>, vector<64x8192xf32>
    %transpose3A = tpu.transpose %get3A_1, [1, 0] : vector<64x8192xf32> -> vector<8192x64xf32>
    %broadcast_in_dim3A = arith.constant 0.000000e+00 : f32
    %broadcast_in_dim3A_2 = vector.broadcast %broadcast_in_dim3A : f32 to vector<8192x64xf32>
    %concatenate3A = tpu.concatenate %transpose3A, %broadcast_in_dim3A_2 in 1 : vector<8192x64xf32>, vector<8192x64xf32> -> vector<8192x128xf32>
    %swap3A = arith.constant 0 : index
    %swap3A_3 = arith.constant 0 : index
    %swap3A_4 = vector.load %arg2[%swap3A, %swap3A_3] : memref<8192x128xf32, #tpu.memory_space<vmem>>, vector<8192x128xf32>
    tpu.vector_store %arg2[%swap3A, %swap3A_3], %concatenate3A {strides = array<i32>} : memref<8192x128xf32, #tpu.memory_space<vmem>>, vector<8192x128xf32>,
    return
  }
  func.func @transform_0(%arg0: i32) -> (i32, i32) {
    %c0_i32 = arith.constant 0 : i32
    %c0_i32_0 = arith.constant 0 : i32
    return %c0_i32, %arg0 : i32, i32
  }
  func.func @transform_1(%arg0: i32) -> (i32, i32) {
    %c0_i32 = arith.constant 0 : i32
    %c0_i32_0 = arith.constant 0 : i32
    return %arg0, %c0_i32 : i32, i32
  }
}

</mosaic_0001>

<sc_bundles>
// kernel: kernel.5.cloned.1.call-start
scs
__scs_entry_jumppad:
0x0: {  	(pc) =	sbr.rel $0x88, $3  }
0x1: {  	(tag) =	ssettag $0x0;
	lr =	simm.s32 $0x1  }
0x2: {  	[smem:$0x3F9F] =	sst lr;
	_ =	strace $0xD0000000  }
0x3: {  	_ = 	snop  }
0x4: {  	_ = 	snop  }
0x5: {  	_ = 	snop  }
0x6: {  	_ = 	snop  }
0x7: {  	_ = 	snop  }
__scs_overlays_trampoline_lowered:
0x8: {  	[smem:$0x3FAE] =	sst s0  }
0x9: {  	[smem:$0x3FAF] =	sst s1  }
0xa: {  	[smem:$0x3FB0] =	sst s2  }
0xb: {  	[smem:$0x3FB1] =	sst s3  }
0xc: {  	[smem:$0x3FB2] =	sst s4  }
0xd: {  	[smem:$0x3FB3] =	sst s5  }
0xe: {  	[smem:$0x3FB4] =	sst s6  }
0xf: {  	[smem:$0x3FB5] =	sst s7  }
0x10: {  	[smem:$0x3FB6] =	sst s8  }
0x11: {  	[smem:$0x3FB7] =	sst s9;
	s0 =	simm.s32 @!p0 $0x0  }
0x12: {  	s1 =	sld [smem:$0x3F9D];
	s0 =	simm.s32 @p0 $0x1  }
0x13: {  	[smem:$0x3FB8] =	sst s0;
	s0 =	simm.s32 @!p1 $0x0  }
0x14: {  	s2 =	sld [smem:$0x3F9C];
	s0 =	simm.s32 @p1 $0x1  }
0x15: {  	[smem:$0x3FB9] =	sst s0;
	s0 =	simm.s32 @!p2 $0x0  }
0x16: {  	s3 =	sld [smem:$0x3FDB];
	s0 =	simm.s32 @p2 $0x1  }
0x17: {  	s4 =	simm.s32 $0x1BF5;
	[smem:$0x3FBB] =	sst s0  }
0x18: {  	s0 =	sld [smem:$0x3F9E];
	_ =	swait.ge [sflag:s4], $0x0  }
0x19: {  	s7 =	sld [smem:$0x3F9F]  }
0x1a: {  	s8 =	sadd.s32 $0xFFFFE003, lr  }
0x1b: {  	s9 =	sadd.s32 $0xFFFFFEF7, lr;
	s5 =	simm.s32 $0xFFFFFFFF;
	p2 =	slt.u32 s8, $0xFFFFF086  }
0x1c: {  	p1 =	slt.u32 s9, $0xF7A;
	s5 =	simm.s32 @!p2 $0x0  }
0x1d: {  	s5 =	simm.s32 @p1 $0x1;
	p0 =	seq.s32 s7, s2  }
0x1e: {  	s7 =	smul.u32 @!p0 $0xF7A, s2;
	p2 =	seq.s32 @!p0 s5, $0x0  }
0x1f: {  	s9 =	smul.u32 $0xF7A, s1;
	s8 =	simm.s32 @!p0 $0x1BF5;
	p2 =	por !p2, p0  }
0x20: {  	[sflag:s8] =	ssyncset.s32 @!p0 $0xFFFFF086;
	s6 =	sadd.s32 @!p0 s3, s7;
	s7 =	simm.s32 @!p0 $0x108  }
0x21: {  	s3 =	sadd.s32 s3, s9;
	s6 =	sadd.s32 @!p0 $0x88, s6;
	s7 =	simm.s32 @p2 $0x1082  }
0x22: {  	[simem:s7], [sflag:s8] =	dma.local @!p0 [hbm:s6], $0xF7A  }
0x23: {  	s9 =	sor.u32 $0xD0000000, s2;
	s6 =	simm.s32 $0x108;
	_ =	swait.ge @!p0 [sflag:s8], $0x0  }
0x24: {  	s3 =	sadd.s32 $0x88, s3;
	s6 =	simm.s32 @!p1 $0x1082;
	[sflag:s4] =	ssyncset.s32 $0xFFFFF086  }
0x25: {  	[simem:s6], [sflag:s4] =	dma.local [hbm:s3], $0xF7A  }
0x26: {  	[smem:$0x3F9F] =	sst s1;
	(tag) =	ssettag s2;
	_ =	strace s9  }
0x27: {  	s1 =	sld [smem:$0x3FAF]  }
0x28: {  	s2 =	sld [smem:$0x3FB0]  }
0x29: {  	s4 =	sld [smem:$0x3FB2]  }
0x2a: {  	p0 =	seq.s32 s5, $0x0;
	s5 =	sld [smem:$0x3FB3]  }
0x2b: {  	s6 =	sld [smem:$0x3FB4]  }
0x2c: {  	s7 =	sld [smem:$0x3FB5]  }
0x2d: {  	s3 =	simm.s32 $0x108;
	s8 =	sld [smem:$0x3FB6]  }
0x2e: {  	s3 =	simm.s32 @!p0 $0x1082;
	s9 =	sld [smem:$0x3FB7]  }
0x2f: {  	lr =	sadd.s32 s0, s3;
	s0 =	sld [smem:$0x3FAE]  }
0x30: {  	s3 =	sld [smem:$0x3FB1]  }
0x31: {  	[smem:$0x3FBA] =	sst s10  }
0x32: {  	s10 =	sld [smem:$0x3FB8];
	_ =	sdelay $0x3  }
0x33: {  	p0 =	seq.s32 s10, $0x1;
	s10 =	sld [smem:$0x3FBA];
	_ =	sdelay $0x3  }
0x34: {  	[smem:$0x3FBA] =	sst s10  }
0x35: {  	s10 =	sld [smem:$0x3FB9];
	_ =	sdelay $0x3  }
0x36: {  	p1 =	seq.s32 s10, $0x1;
	s10 =	sld [smem:$0x3FBA];
	_ =	sdelay $0x3  }
0x37: {  	[smem:$0x3FBA] =	sst s10  }
0x38: {  	s10 =	sld [smem:$0x3FBB]  }
0x39: {  	_ = 	snop;
	(pc) =	sbr.ind lr, $3  }
0x3a: {  	_ = 	snop  }
0x3b: {  	_ = 	snop  }
0x3c: {  	p2 =	seq.s32 s10, $0x1;
	s10 =	sld [smem:$0x3FBA]  }
0x3d: {  	_ =	shalt  }
0x3e: {  	_ =	shalt  }
0x3f: {  	_ =	shalt  }
0x40: {  	_ =	shalt  }
0x41: {  	_ =	shalt  }
0x42: {  	_ =	shalt  }
0x43: {  	_ =	shalt  }
0x44: {  	_ =	shalt  }
0x45: {  	_ =	shalt  }
0x46: {  	_ =	shalt  }
0x47: {  	_ =	shalt  }
0x48: {  	_ =	shalt  }
0x49: {  	_ =	shalt  }
0x4a: {  	_ =	shalt  }
0x4b: {  	_ =	shalt  }
0x4c: {  	_ =	shalt  }
0x4d: {  	_ =	shalt  }
0x4e: {  	_ =	shalt  }
0x4f: {  	_ =	shalt  }
0x50: {  	_ =	shalt  }
0x51: {  	_ =	shalt  }
0x52: {  	_ =	shalt  }
0x53: {  	_ =	shalt  }
0x54: {  	_ =	shalt  }
0x55: {  	_ =	shalt  }
0x56: {  	_ =	shalt  }
0x57: {  	_ =	shalt  }
0x58: {  	_ =	shalt  }
0x59: {  	_ =	shalt  }
0x5a: {  	_ =	shalt  }
0x5b: {  	_ =	shalt  }
0x5c: {  	_ =	shalt  }
0x5d: {  	_ =	shalt  }
0x5e: {  	_ =	shalt  }
0x5f: {  	_ =	shalt  }
0x60: {  	_ =	shalt  }
0x61: {  	_ =	shalt  }
0x62: {  	_ =	shalt  }
0x63: {  	_ =	shalt  }
0x64: {  	_ =	shalt  }
0x65: {  	_ =	shalt  }
0x66: {  	_ =	shalt  }
0x67: {  	_ =	shalt  }
0x68: {  	_ =	shalt  }
0x69: {  	_ =	shalt  }
0x6a: {  	_ =	shalt  }
0x6b: {  	_ =	shalt  }
0x6c: {  	_ =	shalt  }
0x6d: {  	_ =	shalt  }
0x6e: {  	_ =	shalt  }
0x6f: {  	_ =	shalt  }
0x70: {  	_ =	shalt  }
0x71: {  	_ =	shalt  }
0x72: {  	_ =	shalt  }
0x73: {  	_ =	shalt  }
0x74: {  	_ =	shalt  }
0x75: {  	_ =	shalt  }
0x76: {  	_ =	shalt  }
0x77: {  	_ =	shalt  }
0x78: {  	_ =	shalt  }
0x79: {  	_ =	shalt  }
0x7a: {  	_ =	shalt  }
0x7b: {  	_ =	shalt  }
0x7c: {  	_ =	shalt  }
0x7d: {  	_ =	shalt  }
0x7e: {  	_ =	shalt  }
0x7f: {  	_ =	shalt  }
0x80: {  	_ =	shalt  }
0x81: {  	_ =	shalt  }
0x82: {  	_ =	shalt  }
0x83: {  	_ =	shalt  }
0x84: {  	_ =	shalt  }
0x85: {  	_ =	shalt  }
0x86: {  	_ =	shalt  }
0x87: {  	_ =	shalt  }
.Lfunc_end0:
.L_simem_size_0:
called_computation_lowered:
.L_overlay_start_0:
0x88: {  	s2 =	sld [smem:$0x3FD9]  }
0x89: {  	s3 =	sld [smem:$0x3FFE];
	_ =	sdelay $0x1  }
0x8a: {  	s1 =	srdreg.scid  }
0x8b: {  	s0 =	sand.u32 $0x1, s1  }
0x8c: {  	s17 =	sshll.u32 s0, $0xA;
	s2 =	sadd.s32 s3, s2  }
0x8d: {  	s2 =	sadd.s32 s2, s17  }
0x8e: {  	[smem:$0x3FC6] =	sst s2  }
0x8f: {  	_ = 	snop  }
0x90: {  	s2 =	sld [smem:$0x3FD0];
	(tm) =	ssettm $0x1  }
0x91: {  	s18 =	sld [smem:$0x3FFB];
	_ =	sdelay $0x3  }
0x92: {  	_ =	strace s18  }
0x93: {  	s3 =	sld [smem:$0x3FFC];
	_ =	sdelay $0x3  }
0x94: {  	_ =	strace s3  }
0x95: {  	s3 =	sld [smem:$0x3FFD];
	_ =	sdelay $0x3  }
0x96: {  	_ =	strace s3  }
0x97: {  	_ =	strace $0x8FFFFFFF  }
0x98: {  	s19 =	sld [smem:$0x3FDB];
	_ =	sdelay $0x1  }
0x99: {  	s4 =	simm.s32 $_scs_section_size  }
0x9a: {  	s5 =	simm.s32 $_size__tile_overlayer_lowered;
	s6 =	simm.s32 $_tile_overlayer_lowered  }
0x9b: {  	s22 =	simm.s32 $0x1BFF;
	s21 =	sshll.u32 s6, $0x1;
	s3 =	sadd.s32 s4, s19  }
0x9c: {  	s7 =	simm.s32 $0x0;
	s20 =	sshll.u32 s5, $0x1;
	s5 =	sadd.s32 s21, s3  }
0x9d: {  	[timem:s7], [sflag:s22] =	dma.local [hbm:s5], s20  }
0x9e: {  	_ =	swait.ge [sflag:s22], s20  }
0x9f: {  	s4 =	ssub.s32 $0x0, s20;
	[sflag:s22] =	ssyncset.done $0x0  }
0xa0: {  	[sflag:s22] =	ssyncadd.s32 s4;
	_ =	sdelay $0x1  }
0xa1: {  	s23 =	simm.s32 $0x1B8B  }
0xa2: {  	_ =	swait.ge [sflag:s23], $0x1  }
0xa3: {  	[sflag:s23] =	ssyncset.done $0x0  }
0xa4: {  	s25 =	simm.s32 $0x1B8E;
	s24 =	sld [smem:$0x3FFE];
	[sflag:s23] =	ssyncadd.s32 $0xFFFFFFFF  }
0xa5: {  	s26 =	simm.s32 $execute0_lowered;
	[smem:$0x3FD2] =	sst s25  }
0xa6: {  	s5 =	sshll.u32 s26, $0x1;
	_ =	strace $0x80000046;
	[dreg:$0x1] =	wrdreg $0xFFFFFFFF  }
0xa7: {  	s28 =	simm.s32 $_size_execute0_lowered;
	s3 =	sadd.s32 s3, s5;
	[dreg:$0x0] =	wrdreg $0x0  }
0xa8: {  	s5 =	sshll.u32 s28, $0x1;
	[dreg:$0x2] =	wrdreg s3  }
0xa9: {  	[dreg:$0x3] =	wrdreg s5  }
0xaa: {  	[dreg:$0x4] =	wrdreg $0xC0  }
0xab: {  	_ =	task [dreg:s7], $0x5FFFF  }
0xac: {  	[dreg:$0x1] =	wrdreg $0xFFFFFFFF  }
0xad: {  	[dreg:$0x0] =	wrdreg $0x60  }
0xae: {  	[dreg:$0x2] =	wrdreg s2  }
0xaf: {  	[dreg:$0x3] =	wrdreg s24  }
0xb0: {  	[dreg:$0x4] =	wrdreg $0x9  }
0xb1: {  	_ =	task.clear_ibuf [dreg:s7], $0x5FFFF;
	_ =	strace $0x90000046  }
0xb2: {  	s29 =	simm.s32 $0x9;
	_ =	strace $0x80000048  }
0xb3: {  	_ =	swait.ge [sflag:s29], $0x1  }
0xb4: {  	[sflag:s29] =	ssyncadd.s32 $0xFFFFFFFF  }
0xb5: {  	_ =	strace $0x90000048  }
0xb6: {  	_ =	sfence  }
0xb7: {  	s30 =	sld [smem:$0x0];
	_ =	sdelay $0x2  }
0xb8: {  	s31 =	sshll.u32 s1, $0xD;
	s1 =	sshrl.u32 s1, $0x2  }
0xb9: {  	s3 =	sand.u32 $0x4000, s31;
	s1 =	sadd.s32 s1, s30  }
0xba: {  	s0 =	sor.u32 s3, s0;
	s1 =	sshll.u32 s1, $0x11  }
0xbb: {  	s0 =	sor.u32 s1, s0  }
0xbc: {  	s0 =	sadd.s32 $0x8F2B, s0  }
0xbd: {  	[sflag:s0] =	ssyncadd.remote.s32 $0x1  }
0xbe: {  	_ =	sfence.sel $0xFFFF  }
0xbf: {  	[dreg:$0x0] =	wrdreg $0xFFFFFFFF;
	(pc) =	sbr.abs _section_cstart, $3  }
0xc0: {  	[dreg:$0x1] =	wrdreg $0xFFFFFFFF  }
0xc1: {  	_ =	task.clear_ibuf [dreg:s7], $0x2FFFF;
	_ =	strace $0x9FFFFFFF  }
0xc2: {  	(tm) =	ssettm $0x7FFFFFFF  }
0xc3: {  	_ =	shalt  }
tec
execute0_lowered:
.L_overlay_start_1:
0x0: {  	(tag) =	ssettag $0x1  }
0x1: {  	s3 =	rddreg [dreg:$0x0];
	s1 =	srdreg.scid  }
0x2: {  	s0 =	stileid.u32;
	s4 =	rddreg [dreg:$0x1];
	s2 =	simm.s32 $0x0  }
0x3: {  	s5 =	sand.u32 $0x1, s1;
	s6 =	sshll.u32 s0, $0x1;
	s1 =	rddreg [dreg:$0x2]  }
0x4: {  	vm0 =	vcmask $0x3F30;
	[smem:$0x7FF] =	sst s2;
	s6 =	sor.u32 s5, s6;
	s5 =	ssub.s32 $0x2, s5  }
0x5: {  	s7 =	smul.u32 $0xA00, s6;
	s8 =	sshrl.u32 s5, $0x1;
	s6 =	sshll.u32 s6, $0xD  }
0x6: {  	_ =	strace $0x80000047;
	s5 =	ssub.s32 s5, s8;
	s3 =	sadd.s32 s3, s6  }
0x7: {  	v0 =	vlaneseq.u32;
	s6 =	simm.s32 $0x1;
	s8 =	simm.s32 $0x0;
	s4 =	sadd.s32 s7, s4  }
0x8: {  	v1 =	vadd.s32 $0x4, v0;
	s5 =	smax.u32 s5, $0x1;
	s7 =	simm.s32 $0x10000;
	s4 =	sadd.s32 $0x800, s4  }
.LBB2_1:
0x9: {  	[tilespmem:s2], [sflag:$0x1] =	stream.linear.gather [hbm4b:s3+s2], $0x10000, $0x38;
	[tilespmem:$0x15000] =	vst v63  }
0xa: {  	v2 =	vadd.s32 s2, v0;
	_ =	swait.ge [sflag:s6], $0x10000  }
0xb: {  	v3 =	vshll.u32 v2, $0x1;
	[sflag:s6] =	ssyncset.done $0x0  }
0xc: {  	s9 =	simm.s32 $0x4;
	v2 =	vand.u32 $0x3F, v2;
	v3 =	vand.u32 $0xFF80, v3;
	[sflag:s6] =	ssyncadd.s32 $0xFFFF0000  }
0xd: {  	v2 =	vor.u32 v2, v3;
	v4 =	vld [tilespmem:s9+$0xFFFFFFFC];
	_ =	sdelay $0x2  }
0xe: {  	v3 =	vadd.s32 s2, v1  }
0xf: {  	v5 =	vshll.u32 v3, $0x1  }
0x10: {  	v3 =	vand.u32 $0x3F, v3;
	[tilespmem:v2+s7+$0x0] =	vst.idx.msk $0xffff, v4;
	v4 =	vand.u32 $0xFF80, v5  }
0x11: {  	v2 =	vld [tilespmem:s9+$0x0];
	v3 =	vor.u32 v3, v4;
	_ =	sdelay $0x1  }
0x12: {  	s10 =	simm.s32 $0x14  }
0x13: {  	s11 =	simm.s32 $0x28;
	v4 =	vadd.s32 s10, v0  }
.LBB2_2:
0x14: {  	p0 =	sne.s32 s11, $0x27EC;
	v5 =	vshll.u32 v4, $0x1  }
0x15: {  	v4 =	vand.u32 $0x3F, v4;
	s9 =	sadd.s32 $0x80, s9;
	v5 =	vand.u32 $0xFF80, v5;
	[tilespmem:v3+s7+$0x0] =	vst.idx.msk vm0, v2  }
0x16: {  	v2 =	vld [tilespmem:s9+$0xFFFFFFFC];
	v3 =	vor.u32 v4, v5;
	_ =	sdelay $0x2  }
0x17: {  	v4 =	vadd.s32 s10, v1;
	s10 =	smov.u32 s11  }
0x18: {  	v5 =	vshll.u32 v4, $0x1  }
.Ltmp0:
0x19: {  	[tilespmem:v3+s7+$0x0] =	vst.idx.msk $0xffff, v2;
	v3 =	vand.u32 $0x3F, v4;
	v4 =	vand.u32 $0xFF80, v5;
	(pc) =	sbr.rel @p0 .LBB2_2-.Ltmp0, $2  }
0x1a: {  	v2 =	vld [tilespmem:s9+$0x0];
	v3 =	vor.u32 v3, v4;
	_ =	sdelay $0x2  }
0x1b: {  	s11 =	sadd.s32 $0x14, s11;
	v4 =	vadd.s32 s10, v0  }
0x1c: {  	_ =	sdelay $0x3  }
0x1d: {  	v5 =	vshll.u32 v4, $0x1  }
0x1e: {  	v60 =	vand.u32 $0x3F, v4;
	s9 =	sadd.s32 $0x80, s9;
	v5 =	vand.u32 $0xFF80, v5;
	[tilespmem:v3+s7+$0x0] =	vst.idx.msk vm0, v2  }
0x1f: {  	v2 =	vld [tilespmem:s9+$0xFFFFFFFC];
	v3 =	vor.u32 v60, v5;
	_ =	sdelay $0x2  }
0x20: {  	v61 =	vadd.s32 s10, v1  }
0x21: {  	v62 =	vshll.u32 v61, $0x1  }
0x22: {  	[tilespmem:v3+s7+$0x0] =	vst.idx.msk $0xffff, v2;
	v2 =	vand.u32 $0x3F, v61;
	v3 =	vand.u32 $0xFF80, v62  }
0x23: {  	v63 =	vld [tilespmem:s9+$0x0];
	v2 =	vor.u32 v2, v3;
	_ =	sdelay $0x2  }
0x24: {  	s8 =	sadd.s32 $0x1, s8  }
0x25: {  	p0 =	sne.s32 s8, s5  }
.Ltmp1:
0x26: {  	[tilespmem:v2+s7+$0x0] =	vst.idx.msk vm0, v63;
	(pc) =	sbr.rel @p0 .LBB2_1-.Ltmp1, $4  }
0x27: {  	[hbm4b:s4+s2] =	stream.linear.scatter [tilespmem:s7], [sflag:$0x1], $0x5000, $0x38;
	[tilespmem:$0x15000] =	vst v63  }
0x28: {  	_ =	swait.ge [sflag:s6], $0x5000  }
0x29: {  	[sflag:s6] =	ssyncset.done $0x0  }
0x2a: {  	[sflag:s6] =	ssyncadd.s32 $0xFFFFB000  }
0x2b: {  	_ =	sfence.sel $0x180000  }
0x2c: {  	[bflag:$0x0] =	sbarrier.arrive $0xFFFF  }
0x2d: {  	p0 =	sne.s32 s0, $0x0;
	_ =	strace $0x90000047  }
0x2e: {  	s0 =	sadd.s32 @!p0 $0x100000, s1;
	[bflag:$0x2] =	sbarrier.arrive $0xFFFF  }
0x2f: {  	[sflag:s0] =	ssyncadd.tile.s32 @!p0 $0x1;
	_ =	shalt  }
.Lfunc_end2:
_tile_overlayer_lowered:
.L_overlay_start_2:
0x30: {  	(tag) =	ssettag $0x2  }
0x31: {  	s0 =	rddreg [dreg:$0x0];
	s2 =	stileid.u32  }
0x32: {  	s1 =	rddreg [dreg:$0x1];
	p0 =	sne.s32 s2, $0x0  }
0x33: {  	s3 =	rddreg [dreg:$0x2];
	[bflag:$0x3] =	sbarrier.arrive $0xFFFF;
	s2 =	simm.s32 @!p0 $0x1C01  }
0x34: {  	[timem:s3], [sflag:s2] =	dma.local @!p0 [hbm:s0], s1  }
0x35: {  	s0 =	simm.s32 @!p0 $0x1  }
0x36: {  	_ =	swait.ge @!p0 [sflag:s0], s1  }
0x37: {  	s1 =	ssub.s32 @!p0 $0x0, s1;
	[sflag:s0] =	ssyncset.done @!p0 $0x0  }
0x38: {  	[sflag:s0] =	ssyncadd.s32 @!p0 s1  }
0x39: {  	[bflag:$0x3] =	sbarrier.arrive $0xFFFF  }
0x3a: {  	_ =	shalt  }

// kernel: kernel.8.cloned.1.call-start
scs
__scs_entry_jumppad:
0x0: {  	(pc) =	sbr.rel $0x88, $3  }
0x1: {  	(tag) =	ssettag $0x0;
	lr =	simm.s32 $0x1  }
0x2: {  	[smem:$0x3F9F] =	sst lr;
	_ =	strace $0xD0000000  }
0x3: {  	_ = 	snop  }
0x4: {  	_ = 	snop  }
0x5: {  	_ = 	snop  }
0x6: {  	_ = 	snop  }
0x7: {  	_ = 	snop  }
__scs_overlays_trampoline_lowered:
0x8: {  	[smem:$0x3FAE] =	sst s0  }
0x9: {  	[smem:$0x3FAF] =	sst s1  }
0xa: {  	[smem:$0x3FB0] =	sst s2  }
0xb: {  	[smem:$0x3FB1] =	sst s3  }
0xc: {  	[smem:$0x3FB2] =	sst s4  }
0xd: {  	[smem:$0x3FB3] =	sst s5  }
0xe: {  	[smem:$0x3FB4] =	sst s6  }
0xf: {  	[smem:$0x3FB5] =	sst s7  }
0x10: {  	[smem:$0x3FB6] =	sst s8  }
0x11: {  	[smem:$0x3FB7] =	sst s9;
	s0 =	simm.s32 @!p0 $0x0  }
0x12: {  	s1 =	sld [smem:$0x3F9D];
	s0 =	simm.s32 @p0 $0x1  }
0x13: {  	[smem:$0x3FB8] =	sst s0;
	s0 =	simm.s32 @!p1 $0x0  }
0x14: {  	s2 =	sld [smem:$0x3F9C];
	s0 =	simm.s32 @p1 $0x1  }
0x15: {  	[smem:$0x3FB9] =	sst s0;
	s0 =	simm.s32 @!p2 $0x0  }
0x16: {  	s3 =	sld [smem:$0x3FDB];
	s0 =	simm.s32 @p2 $0x1  }
0x17: {  	s4 =	simm.s32 $0x1BF5;
	[smem:$0x3FBB] =	sst s0  }
0x18: {  	s0 =	sld [smem:$0x3F9E];
	_ =	swait.ge [sflag:s4], $0x0  }
0x19: {  	s7 =	sld [smem:$0x3F9F]  }
0x1a: {  	s8 =	sadd.s32 $0xFFFFE003, lr  }
0x1b: {  	s9 =	sadd.s32 $0xFFFFFEF7, lr;
	s5 =	simm.s32 $0xFFFFFFFF;
	p2 =	slt.u32 s8, $0xFFFFF086  }
0x1c: {  	p1 =	slt.u32 s9, $0xF7A;
	s5 =	simm.s32 @!p2 $0x0  }
0x1d: {  	s5 =	simm.s32 @p1 $0x1;
	p0 =	seq.s32 s7, s2  }
0x1e: {  	s7 =	smul.u32 @!p0 $0xF7A, s2;
	p2 =	seq.s32 @!p0 s5, $0x0  }
0x1f: {  	s9 =	smul.u32 $0xF7A, s1;
	s8 =	simm.s32 @!p0 $0x1BF5;
	p2 =	por !p2, p0  }
0x20: {  	[sflag:s8] =	ssyncset.s32 @!p0 $0xFFFFF086;
	s6 =	sadd.s32 @!p0 s3, s7;
	s7 =	simm.s32 @!p0 $0x108  }
0x21: {  	s3 =	sadd.s32 s3, s9;
	s6 =	sadd.s32 @!p0 $0x88, s6;
	s7 =	simm.s32 @p2 $0x1082  }
0x22: {  	[simem:s7], [sflag:s8] =	dma.local @!p0 [hbm:s6], $0xF7A  }
0x23: {  	s9 =	sor.u32 $0xD0000000, s2;
	s6 =	simm.s32 $0x108;
	_ =	swait.ge @!p0 [sflag:s8], $0x0  }
0x24: {  	s3 =	sadd.s32 $0x88, s3;
	s6 =	simm.s32 @!p1 $0x1082;
	[sflag:s4] =	ssyncset.s32 $0xFFFFF086  }
0x25: {  	[simem:s6], [sflag:s4] =	dma.local [hbm:s3], $0xF7A  }
0x26: {  	[smem:$0x3F9F] =	sst s1;
	(tag) =	ssettag s2;
	_ =	strace s9  }
0x27: {  	s1 =	sld [smem:$0x3FAF]  }
0x28: {  	s2 =	sld [smem:$0x3FB0]  }
0x29: {  	s4 =	sld [smem:$0x3FB2]  }
0x2a: {  	p0 =	seq.s32 s5, $0x0;
	s5 =	sld [smem:$0x3FB3]  }
0x2b: {  	s6 =	sld [smem:$0x3FB4]  }
0x2c: {  	s7 =	sld [smem:$0x3FB5]  }
0x2d: {  	s3 =	simm.s32 $0x108;
	s8 =	sld [smem:$0x3FB6]  }
0x2e: {  	s3 =	simm.s32 @!p0 $0x1082;
	s9 =	sld [smem:$0x3FB7]  }
0x2f: {  	lr =	sadd.s32 s0, s3;
	s0 =	sld [smem:$0x3FAE]  }
0x30: {  	s3 =	sld [smem:$0x3FB1]  }
0x31: {  	[smem:$0x3FBA] =	sst s10  }
0x32: {  	s10 =	sld [smem:$0x3FB8];
	_ =	sdelay $0x3  }
0x33: {  	p0 =	seq.s32 s10, $0x1;
	s10 =	sld [smem:$0x3FBA];
	_ =	sdelay $0x3  }
0x34: {  	[smem:$0x3FBA] =	sst s10  }
0x35: {  	s10 =	sld [smem:$0x3FB9];
	_ =	sdelay $0x3  }
0x36: {  	p1 =	seq.s32 s10, $0x1;
	s10 =	sld [smem:$0x3FBA];
	_ =	sdelay $0x3  }
0x37: {  	[smem:$0x3FBA] =	sst s10  }
0x38: {  	s10 =	sld [smem:$0x3FBB]  }
0x39: {  	_ = 	snop;
	(pc) =	sbr.ind lr, $3  }
0x3a: {  	_ = 	snop  }
0x3b: {  	_ = 	snop  }
0x3c: {  	p2 =	seq.s32 s10, $0x1;
	s10 =	sld [smem:$0x3FBA]  }
0x3d: {  	_ =	shalt  }
0x3e: {  	_ =	shalt  }
0x3f: {  	_ =	shalt  }
0x40: {  	_ =	shalt  }
0x41: {  	_ =	shalt  }
0x42: {  	_ =	shalt  }
0x43: {  	_ =	shalt  }
0x44: {  	_ =	shalt  }
0x45: {  	_ =	shalt  }
0x46: {  	_ =	shalt  }
0x47: {  	_ =	shalt  }
0x48: {  	_ =	shalt  }
0x49: {  	_ =	shalt  }
0x4a: {  	_ =	shalt  }
0x4b: {  	_ =	shalt  }
0x4c: {  	_ =	shalt  }
0x4d: {  	_ =	shalt  }
0x4e: {  	_ =	shalt  }
0x4f: {  	_ =	shalt  }
0x50: {  	_ =	shalt  }
0x51: {  	_ =	shalt  }
0x52: {  	_ =	shalt  }
0x53: {  	_ =	shalt  }
0x54: {  	_ =	shalt  }
0x55: {  	_ =	shalt  }
0x56: {  	_ =	shalt  }
0x57: {  	_ =	shalt  }
0x58: {  	_ =	shalt  }
0x59: {  	_ =	shalt  }
0x5a: {  	_ =	shalt  }
0x5b: {  	_ =	shalt  }
0x5c: {  	_ =	shalt  }
0x5d: {  	_ =	shalt  }
0x5e: {  	_ =	shalt  }
0x5f: {  	_ =	shalt  }
0x60: {  	_ =	shalt  }
0x61: {  	_ =	shalt  }
0x62: {  	_ =	shalt  }
0x63: {  	_ =	shalt  }
0x64: {  	_ =	shalt  }
0x65: {  	_ =	shalt  }
0x66: {  	_ =	shalt  }
0x67: {  	_ =	shalt  }
0x68: {  	_ =	shalt  }
0x69: {  	_ =	shalt  }
0x6a: {  	_ =	shalt  }
0x6b: {  	_ =	shalt  }
0x6c: {  	_ =	shalt  }
0x6d: {  	_ =	shalt  }
0x6e: {  	_ =	shalt  }
0x6f: {  	_ =	shalt  }
0x70: {  	_ =	shalt  }
0x71: {  	_ =	shalt  }
0x72: {  	_ =	shalt  }
0x73: {  	_ =	shalt  }
0x74: {  	_ =	shalt  }
0x75: {  	_ =	shalt  }
0x76: {  	_ =	shalt  }
0x77: {  	_ =	shalt  }
0x78: {  	_ =	shalt  }
0x79: {  	_ =	shalt  }
0x7a: {  	_ =	shalt  }
0x7b: {  	_ =	shalt  }
0x7c: {  	_ =	shalt  }
0x7d: {  	_ =	shalt  }
0x7e: {  	_ =	shalt  }
0x7f: {  	_ =	shalt  }
0x80: {  	_ =	shalt  }
0x81: {  	_ =	shalt  }
0x82: {  	_ =	shalt  }
0x83: {  	_ =	shalt  }
0x84: {  	_ =	shalt  }
0x85: {  	_ =	shalt  }
0x86: {  	_ =	shalt  }
0x87: {  	_ =	shalt  }
.Lfunc_end0:
.L_simem_size_0:
called_computation.1_lowered:
.L_overlay_start_0:
0x88: {  	s2 =	sld [smem:$0x3FD9]  }
0x89: {  	s3 =	sld [smem:$0x3FFE];
	_ =	sdelay $0x1  }
0x8a: {  	s1 =	srdreg.scid  }
0x8b: {  	s0 =	sand.u32 $0x1, s1  }
0x8c: {  	s16 =	sshll.u32 s0, $0xA;
	s2 =	sadd.s32 s3, s2  }
0x8d: {  	s2 =	sadd.s32 s2, s16  }
0x8e: {  	[smem:$0x3FC6] =	sst s2  }
0x8f: {  	_ = 	snop  }
0x90: {  	(tm) =	ssettm $0x1  }
0x91: {  	s17 =	sld [smem:$0x3FFB];
	_ =	sdelay $0x3  }
0x92: {  	_ =	strace s17  }
0x93: {  	s2 =	sld [smem:$0x3FFC];
	_ =	sdelay $0x3  }
0x94: {  	_ =	strace s2  }
0x95: {  	s2 =	sld [smem:$0x3FFD];
	_ =	sdelay $0x3  }
0x96: {  	_ =	strace s2  }
0x97: {  	_ =	strace $0x8FFFFFFF  }
0x98: {  	s18 =	sld [smem:$0x3FDB];
	_ =	sdelay $0x1  }
0x99: {  	s19 =	simm.s32 $_scs_section_size  }
0x9a: {  	s4 =	simm.s32 $_size__tile_overlayer_lowered;
	s5 =	simm.s32 $_tile_overlayer_lowered  }
0x9b: {  	s22 =	simm.s32 $0x1BFF;
	s21 =	sshll.u32 s5, $0x1;
	s2 =	sadd.s32 s19, s18  }
0x9c: {  	s6 =	simm.s32 $0x0;
	s20 =	sshll.u32 s4, $0x1;
	s4 =	sadd.s32 s21, s2  }
0x9d: {  	[timem:s6], [sflag:s22] =	dma.local [hbm:s4], s20  }
0x9e: {  	_ =	swait.ge [sflag:s22], s20  }
0x9f: {  	s3 =	ssub.s32 $0x0, s20;
	[sflag:s22] =	ssyncset.done $0x0  }
0xa0: {  	[sflag:s22] =	ssyncadd.s32 s3;
	_ =	sdelay $0x1  }
0xa1: {  	s23 =	simm.s32 $0x1B8B  }
0xa2: {  	_ =	swait.ge [sflag:s23], $0x1  }
0xa3: {  	[sflag:s23] =	ssyncset.done $0x0  }
0xa4: {  	s25 =	simm.s32 $0x1B8E;
	s24 =	sld [smem:$0x3FFE];
	[sflag:s23] =	ssyncadd.s32 $0xFFFFFFFF  }
0xa5: {  	s26 =	simm.s32 $execute0_lowered;
	[smem:$0x3FD2] =	sst s25  }
0xa6: {  	s4 =	sshll.u32 s26, $0x1;
	_ =	strace $0x80000049;
	[dreg:$0x1] =	wrdreg $0xFFFFFFFF  }
0xa7: {  	s28 =	simm.s32 $_size_execute0_lowered;
	s2 =	sadd.s32 s2, s4;
	[dreg:$0x0] =	wrdreg $0x0  }
0xa8: {  	s4 =	sshll.u32 s28, $0x1;
	[dreg:$0x2] =	wrdreg s2  }
0xa9: {  	[dreg:$0x3] =	wrdreg s4  }
0xaa: {  	[dreg:$0x4] =	wrdreg $0xC0  }
0xab: {  	_ =	task [dreg:s6], $0x5FFFF  }
0xac: {  	[dreg:$0x1] =	wrdreg $0xFFFFFFFF  }
0xad: {  	[dreg:$0x0] =	wrdreg $0x60  }
0xae: {  	[dreg:$0x2] =	wrdreg s24  }
0xaf: {  	[dreg:$0x3] =	wrdreg $0x9  }
0xb0: {  	_ =	task.clear_ibuf [dreg:s6], $0x4FFFF;
	_ =	strace $0x90000049  }
0xb1: {  	s29 =	simm.s32 $0x9;
	_ =	strace $0x8000004B  }
0xb2: {  	_ =	swait.ge [sflag:s29], $0x1  }
0xb3: {  	[sflag:s29] =	ssyncadd.s32 $0xFFFFFFFF  }
0xb4: {  	_ =	strace $0x9000004B  }
0xb5: {  	_ =	sfence  }
0xb6: {  	s30 =	sld [smem:$0x0];
	_ =	sdelay $0x2  }
0xb7: {  	s31 =	sshll.u32 s1, $0xD;
	s1 =	sshrl.u32 s1, $0x2  }
0xb8: {  	s3 =	sand.u32 $0x4000, s31;
	s1 =	sadd.s32 s1, s30  }
0xb9: {  	s0 =	sor.u32 s3, s0;
	s1 =	sshll.u32 s1, $0x11  }
0xba: {  	s0 =	sor.u32 s1, s0  }
0xbb: {  	s0 =	sadd.s32 $0x8F2B, s0  }
0xbc: {  	[sflag:s0] =	ssyncadd.remote.s32 $0x1  }
0xbd: {  	_ =	sfence.sel $0xFFFF  }
0xbe: {  	[dreg:$0x0] =	wrdreg $0xFFFFFFFF;
	(pc) =	sbr.abs _section_cstart, $3  }
0xbf: {  	[dreg:$0x1] =	wrdreg $0xFFFFFFFF  }
0xc0: {  	_ =	task.clear_ibuf [dreg:s6], $0x2FFFF;
	_ =	strace $0x9FFFFFFF  }
0xc1: {  	(tm) =	ssettm $0x7FFFFFFF  }
tec
execute0_lowered:
.L_overlay_start_1:
0x0: {  	(tag) =	ssettag $0x1  }
0x1: {  	s0 =	srdreg.scid  }
0x2: {  	s2 =	stileid.u32;
	s1 =	rddreg [dreg:$0x0]  }
0x3: {  	s24 =	simm.s32 $0x1;
	s29 =	simm.s32 $0x2;
	s16 =	simm.s32 $0x13600  }
0x4: {  	s17 =	simm.s32 $0x14000;
	s18 =	simm.s32 $0x4;
	s19 =	simm.s32 $0x14A00  }
0x5: {  	s20 =	simm.s32 $0x15400;
	s21 =	simm.s32 $0x15E00;
	s22 =	simm.s32 $0x5  }
0x6: {  	s23 =	simm.s32 $0x16800;
	s12 =	simm.s32 $0x17C00;
	s13 =	simm.s32 $0x18600  }
0x7: {  	s14 =	simm.s32 $0x6;
	s15 =	simm.s32 $0x0;
	s0 =	sand.u32 $0x1, s0  }
0x8: {  	s3 =	sshll.u32 s2, $0x1;
	s4 =	sadd.s32 $0xF56C00, s1;
	s7 =	sadd.s32 $0xF56D80, s1  }
0x9: {  	s2 =	simm.s32 $0x0;
	s8 =	sadd.s32 $0xF56F00, s1;
	s9 =	sadd.s32 $0xF57080, s1  }
0xa: {  	s10 =	sadd.s32 $0xF57200, s1;
	s5 =	sor.u32 s0, s3;
	s0 =	ssub.s32 $0x2, s0  }
0xb: {  	[smem:$0x7FF] =	sst s2;
	s3 =	smul.u32 $0xA00, s5;
	s31 =	sshrl.u32 s0, $0x1  }
0xc: {  	s11 =	sadd.s32 $0xF57380, s1;
	_ =	strace $0x8000004A;
	s0 =	ssub.s32 s0, s31  }
0xd: {  	s5 =	sshll.u32 s5, $0x9;
	s6 =	sadd.s32 s3, s1;
	s0 =	smax.u32 s0, $0x1  }
0xe: {  	s3 =	sadd.s32 $0x14800, s1;
	s6 =	sadd.s32 $0x800, s6;
	[dreg:$0x3] =	wrdreg s0  }
0xf: {  	s0 =	simm.s32 $0x3;
	[dreg:$0x2] =	wrdreg s6;
	s6 =	simm.s32 $0x17200  }
.LBB2_1:
0x10: {  	[dreg:$0x4] =	wrdreg s15  }
0x11: {  	s1 =	rddreg [dreg:$0x2];
	s25 =	simm.s32 $0x7  }
0x12: {  	[tilespmem:s2], [sflag:$0x7] =	stream.linear.gather [hbm4b:s1+s2], $0x5000, $0x38;
	[tilespmem:$0x19000] =	vst v63  }
0x13: {  	_ =	swait.ge [sflag:s25], $0x5000  }
0x14: {  	[sflag:s25] =	ssyncset.done $0x0  }
0x15: {  	s26 =	simm.s32 $0x5000;
	s1 =	simm.s32 $0x40;
	[sflag:s25] =	ssyncadd.s32 $0xFFFFB000  }
0x16: {  	[tilespmem:s26], [sflag:$0x1] =	stream.indirect.gather [hbm4b:s3+s1], $0x80, s2, s1, $0xb8;
	[tilespmem:$0x19000] =	vst v63  }
0x17: {  	s28 =	simm.s32 $0x80;
	s25 =	simm.s32 $0x7000  }
0x18: {  	[tilespmem:s25], [sflag:$0x2] =	stream.indirect.gather [hbm4b:s3+s1], $0x80, s28, s1, $0xb8;
	[tilespmem:$0x19000] =	vst v63  }
0x19: {  	s30 =	simm.s32 $0x100;
	s31 =	simm.s32 $0x9000  }
0x1a: {  	[tilespmem:s31], [sflag:$0x3] =	stream.indirect.gather [hbm4b:s3+s1], $0x80, s30, s1, $0xb8;
	[tilespmem:$0x19000] =	vst v63  }
0x1b: {  	s26 =	simm.s32 $0x180;
	s28 =	simm.s32 $0xB000  }
0x1c: {  	[tilespmem:s28], [sflag:$0x4] =	stream.indirect.gather [hbm4b:s3+s1], $0x80, s26, s1, $0xb8;
	[tilespmem:$0x19000] =	vst v63  }
0x1d: {  	s25 =	simm.s32 $0x0;
	s30 =	simm.s32 $0x200;
	s31 =	simm.s32 $0xD000  }
0x1e: {  	[tilespmem:s31], [sflag:$0x5] =	stream.indirect.gather [hbm4b:s3+s1], $0x80, s30, s1, $0xb8;
	[tilespmem:$0x19000] =	vst v63  }
.LBB2_2:
0x1f: {  	_ =	swait.ge [sflag:s24], $0x2000  }
0x20: {  	p0 =	seq.s32 s25, $0x0;
	[sflag:s24] =	ssyncset.done $0x0  }
0x21: {  	s1 =	simm.s32 @!p0 $0x6;
	[sflag:s24] =	ssyncadd.s32 $0xFFFFE000  }
0x22: {  	_ =	swait.ge @!p0 [sflag:s1], $0xA00  }
0x23: {  	[sflag:s1] =	ssyncset.done @!p0 $0x0  }
0x24: {  	[sflag:s1] =	ssyncadd.s32 @!p0 $0xFFFFF600  }
0x25: {  	_ =	swait.ge @!p0 [sflag:s1], $0xA00  }
0x26: {  	[sflag:s1] =	ssyncset.done @!p0 $0x0  }
0x27: {  	[sflag:s1] =	ssyncadd.s32 @!p0 $0xFFFFF600  }
0x28: {  	_ =	swait.ge @!p0 [sflag:s1], $0xA00  }
0x29: {  	[sflag:s1] =	ssyncset.done @!p0 $0x0  }
0x2a: {  	[sflag:s1] =	ssyncadd.s32 @!p0 $0xFFFFF600  }
0x2b: {  	_ =	swait.ge @!p0 [sflag:s1], $0xA00  }
0x2c: {  	[sflag:s1] =	ssyncset.done @!p0 $0x0  }
0x2d: {  	[sflag:s1] =	ssyncadd.s32 @!p0 $0xFFFFF600  }
0x2e: {  	_ =	swait.ge @!p0 [sflag:s1], $0xA00  }
0x2f: {  	[sflag:s1] =	ssyncset.done @!p0 $0x0  }
0x30: {  	[sflag:s1] =	ssyncadd.s32 @!p0 $0xFFFFF600  }
0x31: {  	_ =	swait.ge @!p0 [sflag:s1], $0xA00  }
0x32: {  	[sflag:s1] =	ssyncset.done @!p0 $0x0  }
0x33: {  	[sflag:s1] =	ssyncadd.s32 @!p0 $0xFFFFF600  }
0x34: {  	_ =	swait.ge @!p0 [sflag:s1], $0xA00  }
0x35: {  	[sflag:s1] =	ssyncset.done @!p0 $0x0  }
0x36: {  	[sflag:s1] =	ssyncadd.s32 @!p0 $0xFFFFF600  }
0x37: {  	_ =	swait.ge @!p0 [sflag:s1], $0xA00  }
0x38: {  	[sflag:s1] =	ssyncset.done @!p0 $0x0  }
0x39: {  	[sflag:s1] =	ssyncadd.s32 @!p0 $0xFFFFF600  }
0x3a: {  	_ =	swait.ge @!p0 [sflag:s1], $0xA00  }
0x3b: {  	[sflag:s1] =	ssyncset.done @!p0 $0x0  }
0x3c: {  	[sflag:s1] =	ssyncadd.s32 @!p0 $0xFFFFF600  }
0x3d: {  	_ =	swait.ge @!p0 [sflag:s1], $0xA00  }
0x3e: {  	[sflag:s1] =	ssyncset.done @!p0 $0x0  }
0x3f: {  	[sflag:s1] =	ssyncadd.s32 @!p0 $0xFFFFF600  }
0x40: {  	_ =	swait.ge @!p0 [sflag:s1], $0xA00  }
0x41: {  	[sflag:s1] =	ssyncset.done @!p0 $0x0  }
0x42: {  	[sflag:s1] =	ssyncadd.s32 @!p0 $0xFFFFF600  }
0x43: {  	_ =	swait.ge @!p0 [sflag:s1], $0xA00  }
0x44: {  	[sflag:s1] =	ssyncset.done @!p0 $0x0  }
0x45: {  	[sflag:s1] =	ssyncadd.s32 @!p0 $0xFFFFF600  }
0x46: {  	_ =	swait.ge @!p0 [sflag:s1], $0xA00  }
0x47: {  	[sflag:s1] =	ssyncset.done @!p0 $0x0  }
0x48: {  	[sflag:s1] =	ssyncadd.s32 @!p0 $0xFFFFF600  }
0x49: {  	_ =	swait.ge @!p0 [sflag:s1], $0xA00  }
0x4a: {  	[sflag:s1] =	ssyncset.done @!p0 $0x0  }
0x4b: {  	[sflag:s1] =	ssyncadd.s32 @!p0 $0xFFFFF600  }
0x4c: {  	_ =	swait.ge @!p0 [sflag:s1], $0xA00  }
0x4d: {  	[sflag:s1] =	ssyncset.done @!p0 $0x0  }
0x4e: {  	[sflag:s1] =	ssyncadd.s32 @!p0 $0xFFFFF600  }
0x4f: {  	_ =	swait.ge @!p0 [sflag:s1], $0xA00  }
0x50: {  	[sflag:s1] =	ssyncset.done @!p0 $0x0  }
0x51: {  	s30 =	simm.s32 $0x0;
	[sflag:s1] =	ssyncadd.s32 @!p0 $0xFFFFF600  }
0x52: {  	v0 =	vld [tilespmem:s30+$0x5030]  }
0x53: {  	v1 =	vld [tilespmem:s30+$0x5000]  }
0x54: {  	s31 =	sshll.u32 s25, $0x4;
	v2 =	vld [tilespmem:s30+$0x5010]  }
0x55: {  	s26 =	simm.s32 $0x200;
	s28 =	sadd.s32 s5, s31;
	v3 =	vld [tilespmem:s30+$0x5020]  }
.LBB2_3:
0x56: {  	p0 =	sne.s32 s26, $0x7E00  }
.Ltmp0:
0x57: {  	s1 =	sshra.s32 s26, $0x2;
	s26 =	sadd.s32 $0x200, s26;
	[tilespmem:s30+$0xF030] =	vst v0;
	(pc) =	sbr.rel @p0 .LBB2_3-.Ltmp0, $4  }
0x58: {  	v0 =	vld [tilespmem:s1+$0x5030];
	[tilespmem:s30+$0xF000] =	vst v1  }
0x59: {  	v1 =	vld [tilespmem:s1+$0x5000];
	[tilespmem:s30+$0xF010] =	vst v2  }
0x5a: {  	v2 =	vld [tilespmem:s1+$0x5010];
	[tilespmem:s30+$0xF020] =	vst v3;
	s30 =	smov.u32 s1  }
0x5b: {  	v3 =	vld [tilespmem:s30+$0x5020]  }
0x5c: {  	p0 =	seq.s32 s25, $0x1F  }
0x5d: {  	s1 =	smul.u32 @!p0 $0xA00, s25;
	[tilespmem:s30+$0xF030] =	vst v0  }
0x5e: {  	[tilespmem:s30+$0xF000] =	vst v1  }
0x5f: {  	s31 =	simm.s32 @!p0 $0x40;
	s26 =	sshra.s32 @!p0 s1, $0x2;
	[tilespmem:s30+$0xF010] =	vst v2  }
0x60: {  	s15 =	simm.s32 @!p0 $0x5000;
	s1 =	sadd.s32 @!p0 $0x280, s26;
	[tilespmem:s30+$0xF020] =	vst v3;
	s30 =	smul.u32 $0x180, s28  }
0x61: {  	[tilespmem:s15], [sflag:$0x1] =	stream.indirect.gather @!p0 [hbm4b:s3+s31], $0x80, s1, s31, $0xb8;
	[tilespmem:$0x19000] =	vst v63  }
0x62: {  	s15 =	simm.s32 $0x0;
	s31 =	simm.s32 $0xF000;
	s1 =	sadd.s32 s4, s30  }
0x63: {  	[hbm4b:s1+s15] =	stream.linear.scatter [tilespmem:s31], [sflag:$0x6], $0xA00, $0x38;
	[tilespmem:$0x19000] =	vst v63  }
0x64: {  	s1 =	sadd.s32 s30, s7;
	s31 =	simm.s32 $0xFA00  }
0x65: {  	[hbm4b:s1+s15] =	stream.linear.scatter [tilespmem:s31], [sflag:$0x6], $0xA00, $0x38;
	[tilespmem:$0x19000] =	vst v63  }
0x66: {  	s1 =	sadd.s32 s30, s8;
	s31 =	simm.s32 $0x10400  }
0x67: {  	[hbm4b:s1+s15] =	stream.linear.scatter [tilespmem:s31], [sflag:$0x6], $0xA00, $0x38;
	[tilespmem:$0x19000] =	vst v63  }
0x68: {  	_ =	swait.ge [sflag:s29], $0x2000  }
0x69: {  	[sflag:s29] =	ssyncset.done $0x0  }
0x6a: {  	s31 =	simm.s32 $0x0;
	[sflag:s29] =	ssyncadd.s32 $0xFFFFE000  }
0x6b: {  	v0 =	vld [tilespmem:s31+$0x7030]  }
0x6c: {  	v1 =	vld [tilespmem:s31+$0x7000]  }
0x6d: {  	v2 =	vld [tilespmem:s31+$0x7010]  }
0x6e: {  	s1 =	simm.s32 $0x200;
	v3 =	vld [tilespmem:s31+$0x7020]  }
.LBB2_5:
0x6f: {  	p1 =	sne.s32 s1, $0x7E00  }
.Ltmp1:
0x70: {  	s15 =	sshra.s32 s1, $0x2;
	s1 =	sadd.s32 $0x200, s1;
	[tilespmem:s31+$0x11030] =	vst v0;
	(pc) =	sbr.rel @p1 .LBB2_5-.Ltmp1, $4  }
0x71: {  	v0 =	vld [tilespmem:s15+$0x7030];
	[tilespmem:s31+$0x11000] =	vst v1  }
0x72: {  	v1 =	vld [tilespmem:s15+$0x7000];
	[tilespmem:s31+$0x11010] =	vst v2  }
0x73: {  	v2 =	vld [tilespmem:s15+$0x7010];
	[tilespmem:s31+$0x11020] =	vst v3;
	s31 =	smov.u32 s15  }
0x74: {  	v3 =	vld [tilespmem:s31+$0x7020]  }
0x75: {  	_ = 	snop  }
0x76: {  	[tilespmem:s31+$0x11030] =	vst v0  }
0x77: {  	[tilespmem:s31+$0x11000] =	vst v1  }
0x78: {  	[tilespmem:s31+$0x11010] =	vst v2  }
0x79: {  	s1 =	sadd.s32 @!p0 $0x300, s26;
	s15 =	simm.s32 @!p0 $0x40;
	[tilespmem:s31+$0x11020] =	vst v3;
	s31 =	simm.s32 @!p0 $0x7000  }
0x7a: {  	[tilespmem:s31], [sflag:$0x2] =	stream.indirect.gather @!p0 [hbm4b:s3+s15], $0x80, s1, s15, $0xb8;
	[tilespmem:$0x19000] =	vst v63  }
0x7b: {  	s1 =	sadd.s32 s30, s9;
	s15 =	simm.s32 $0x0;
	s31 =	simm.s32 $0x10E00  }
0x7c: {  	[hbm4b:s1+s15] =	stream.linear.scatter [tilespmem:s31], [sflag:$0x6], $0xA00, $0x38;
	[tilespmem:$0x19000] =	vst v63  }
0x7d: {  	s1 =	sadd.s32 s30, s10;
	s31 =	simm.s32 $0x11800  }
0x7e: {  	[hbm4b:s1+s15] =	stream.linear.scatter [tilespmem:s31], [sflag:$0x6], $0xA00, $0x38;
	[tilespmem:$0x19000] =	vst v63  }
0x7f: {  	s31 =	sadd.s32 s30, s11;
	s30 =	simm.s32 $0x12200  }
0x80: {  	[hbm4b:s31+s15] =	stream.linear.scatter [tilespmem:s30], [sflag:$0x6], $0xA00, $0x38;
	[tilespmem:$0x19000] =	vst v63  }
0x81: {  	_ =	swait.ge [sflag:s0], $0x2000  }
0x82: {  	[sflag:s0] =	ssyncset.done $0x0  }
0x83: {  	s30 =	simm.s32 $0x0;
	[sflag:s0] =	ssyncadd.s32 $0xFFFFE000  }
0x84: {  	v0 =	vld [tilespmem:s30+$0x9030]  }
0x85: {  	v1 =	vld [tilespmem:s30+$0x9000]  }
0x86: {  	v2 =	vld [tilespmem:s30+$0x9010]  }
0x87: {  	s1 =	simm.s32 $0x200;
	v3 =	vld [tilespmem:s30+$0x9020]  }
.LBB2_7:
0x88: {  	p1 =	sne.s32 s1, $0x7E00  }
.Ltmp2:
0x89: {  	s15 =	sshra.s32 s1, $0x2;
	s1 =	sadd.s32 $0x200, s1;
	[tilespmem:s30+$0x13030] =	vst v0;
	(pc) =	sbr.rel @p1 .LBB2_7-.Ltmp2, $4  }
0x8a: {  	v0 =	vld [tilespmem:s15+$0x9030];
	[tilespmem:s30+$0x13000] =	vst v1  }
0x8b: {  	v1 =	vld [tilespmem:s15+$0x9000];
	[tilespmem:s30+$0x13010] =	vst v2  }
0x8c: {  	v2 =	vld [tilespmem:s15+$0x9010];
	[tilespmem:s30+$0x13020] =	vst v3;
	s30 =	smov.u32 s15  }
0x8d: {  	v3 =	vld [tilespmem:s30+$0x9020]  }
0x8e: {  	_ = 	snop  }
0x8f: {  	[tilespmem:s30+$0x13030] =	vst v0  }
0x90: {  	[tilespmem:s30+$0x13000] =	vst v1  }
0x91: {  	s1 =	sadd.s32 @!p0 $0x380, s26;
	[tilespmem:s30+$0x13010] =	vst v2  }
0x92: {  	s15 =	simm.s32 @!p0 $0x40;
	s28 =	smul.u32 $0xC00, s28;
	[tilespmem:s30+$0x13020] =	vst v3;
	s30 =	simm.s32 @!p0 $0x9000  }
0x93: {  	[tilespmem:s30], [sflag:$0x3] =	stream.indirect.gather @!p0 [hbm4b:s3+s15], $0x80, s1, s15, $0xb8;
	[tilespmem:$0x19000] =	vst v63  }
0x94: {  	s15 =	sshrl.u32 s28, $0x3  }
0x95: {  	s28 =	sadd.s32 s4, s15  }
0x96: {  	s30 =	simm.s32 $0x12C00;
	s15 =	simm.s32 $0x0;
	s1 =	sadd.s32 $0x900, s28  }
0x97: {  	[hbm4b:s1+s15] =	stream.linear.scatter [tilespmem:s30], [sflag:$0x6], $0xA00, $0x38;
	[tilespmem:$0x19000] =	vst v63  }
0x98: {  	s31 =	sadd.s32 $0xA80, s28  }
0x99: {  	[hbm4b:s31+s15] =	stream.linear.scatter [tilespmem:s16], [sflag:$0x6], $0xA00, $0x38;
	[tilespmem:$0x19000] =	vst v63  }
0x9a: {  	s31 =	sadd.s32 $0xC00, s28  }
0x9b: {  	[hbm4b:s31+s15] =	stream.linear.scatter [tilespmem:s17], [sflag:$0x6], $0xA00, $0x38;
	[tilespmem:$0x19000] =	vst v63  }
0x9c: {  	_ =	swait.ge [sflag:s18], $0x2000  }
0x9d: {  	[sflag:s18] =	ssyncset.done $0x0  }
0x9e: {  	s30 =	simm.s32 $0x0;
	[sflag:s18] =	ssyncadd.s32 $0xFFFFE000  }
0x9f: {  	v0 =	vld [tilespmem:s30+$0xB030]  }
0xa0: {  	v1 =	vld [tilespmem:s30+$0xB000]  }
0xa1: {  	v2 =	vld [tilespmem:s30+$0xB010]  }
0xa2: {  	s1 =	simm.s32 $0x200;
	v3 =	vld [tilespmem:s30+$0xB020]  }
.LBB2_9:
0xa3: {  	p1 =	sne.s32 s1, $0x7E00  }
.Ltmp3:
0xa4: {  	s15 =	sshra.s32 s1, $0x2;
	s1 =	sadd.s32 $0x200, s1;
	[tilespmem:s30+$0x15030] =	vst v0;
	(pc) =	sbr.rel @p1 .LBB2_9-.Ltmp3, $4  }
0xa5: {  	v0 =	vld [tilespmem:s15+$0xB030];
	[tilespmem:s30+$0x15000] =	vst v1  }
0xa6: {  	v1 =	vld [tilespmem:s15+$0xB000];
	[tilespmem:s30+$0x15010] =	vst v2  }
0xa7: {  	v2 =	vld [tilespmem:s15+$0xB010];
	[tilespmem:s30+$0x15020] =	vst v3;
	s30 =	smov.u32 s15  }
0xa8: {  	v3 =	vld [tilespmem:s30+$0xB020]  }
0xa9: {  	_ = 	snop  }
0xaa: {  	[tilespmem:s30+$0x15030] =	vst v0  }
0xab: {  	[tilespmem:s30+$0x15000] =	vst v1  }
0xac: {  	[tilespmem:s30+$0x15010] =	vst v2  }
0xad: {  	s1 =	sadd.s32 @!p0 $0x400, s26;
	s15 =	simm.s32 @!p0 $0x40;
	[tilespmem:s30+$0x15020] =	vst v3;
	s30 =	simm.s32 @!p0 $0xB000  }
0xae: {  	[tilespmem:s30], [sflag:$0x4] =	stream.indirect.gather @!p0 [hbm4b:s3+s15], $0x80, s1, s15, $0xb8;
	[tilespmem:$0x19000] =	vst v63  }
0xaf: {  	s31 =	sadd.s32 $0xD80, s28;
	s15 =	simm.s32 $0x0  }
0xb0: {  	[hbm4b:s31+s15] =	stream.linear.scatter [tilespmem:s19], [sflag:$0x6], $0xA00, $0x38;
	[tilespmem:$0x19000] =	vst v63  }
0xb1: {  	s31 =	sadd.s32 $0xF00, s28  }
0xb2: {  	[hbm4b:s31+s15] =	stream.linear.scatter [tilespmem:s20], [sflag:$0x6], $0xA00, $0x38;
	[tilespmem:$0x19000] =	vst v63  }
0xb3: {  	s31 =	sadd.s32 $0x1080, s28  }
0xb4: {  	[hbm4b:s31+s15] =	stream.linear.scatter [tilespmem:s21], [sflag:$0x6], $0xA00, $0x38;
	[tilespmem:$0x19000] =	vst v63  }
0xb5: {  	_ =	swait.ge [sflag:s22], $0x2000  }
0xb6: {  	[sflag:s22] =	ssyncset.done $0x0  }
0xb7: {  	s30 =	simm.s32 $0x0;
	[sflag:s22] =	ssyncadd.s32 $0xFFFFE000  }
0xb8: {  	v0 =	vld [tilespmem:s30+$0xD030]  }
0xb9: {  	v1 =	vld [tilespmem:s30+$0xD000]  }
0xba: {  	v2 =	vld [tilespmem:s30+$0xD010]  }
0xbb: {  	s1 =	simm.s32 $0x200;
	v3 =	vld [tilespmem:s30+$0xD020]  }
.LBB2_11:
0xbc: {  	p1 =	sne.s32 s1, $0x7E00  }
.Ltmp4:
0xbd: {  	s15 =	sshra.s32 s1, $0x2;
	s1 =	sadd.s32 $0x200, s1;
	[tilespmem:s30+$0x17030] =	vst v0;
	(pc) =	sbr.rel @p1 .LBB2_11-.Ltmp4, $4  }
0xbe: {  	v0 =	vld [tilespmem:s15+$0xD030];
	[tilespmem:s30+$0x17000] =	vst v1  }
0xbf: {  	v1 =	vld [tilespmem:s15+$0xD000];
	[tilespmem:s30+$0x17010] =	vst v2  }
0xc0: {  	v2 =	vld [tilespmem:s15+$0xD010];
	[tilespmem:s30+$0x17020] =	vst v3;
	s30 =	smov.u32 s15  }
0xc1: {  	v3 =	vld [tilespmem:s30+$0xD020]  }
0xc2: {  	_ = 	snop  }
0xc3: {  	[tilespmem:s30+$0x17030] =	vst v0  }
0xc4: {  	[tilespmem:s30+$0x17000] =	vst v1  }
0xc5: {  	[tilespmem:s30+$0x17010] =	vst v2  }
0xc6: {  	s1 =	sadd.s32 @!p0 $0x480, s26;
	s15 =	simm.s32 @!p0 $0x40;
	s26 =	simm.s32 @!p0 $0xD000;
	[tilespmem:s30+$0x17020] =	vst v3  }
0xc7: {  	[tilespmem:s26], [sflag:$0x5] =	stream.indirect.gather @!p0 [hbm4b:s3+s15], $0x80, s1, s15, $0xb8;
	[tilespmem:$0x19000] =	vst v63  }
0xc8: {  	s25 =	sadd.s32 $0x1, s25;
	s15 =	sadd.s32 $0x1200, s28  }
0xc9: {  	[hbm4b:s15+s2] =	stream.linear.scatter [tilespmem:s23], [sflag:$0x6], $0xA00, $0x38;
	[tilespmem:$0x19000] =	vst v63  }
0xca: {  	s26 =	sadd.s32 $0x1380, s28;
	p0 =	sne.s32 s25, $0x20  }
0xcb: {  	[hbm4b:s26+s2] =	stream.linear.scatter [tilespmem:s6], [sflag:$0x6], $0xA00, $0x38;
	[tilespmem:$0x19000] =	vst v63  }
.Ltmp5:
0xcc: {  	_ = 	snop;
	(pc) =	sbr.rel @p0 .LBB2_2-.Ltmp5, $4  }
0xcd: {  	s30 =	sadd.s32 $0x1500, s28  }
0xce: {  	[hbm4b:s30+s2] =	stream.linear.scatter [tilespmem:s12], [sflag:$0x6], $0xA00, $0x38;
	[tilespmem:$0x19000] =	vst v63  }
0xcf: {  	s31 =	sadd.s32 $0x1680, s28  }
0xd0: {  	[hbm4b:s31+s2] =	stream.linear.scatter [tilespmem:s13], [sflag:$0x6], $0xA00, $0x38;
	[tilespmem:$0x19000] =	vst v63  }
0xd1: {  	_ =	swait.ge [sflag:s14], $0xA00  }
0xd2: {  	[sflag:s14] =	ssyncset.done $0x0  }
0xd3: {  	[sflag:s14] =	ssyncadd.s32 $0xFFFFF600  }
0xd4: {  	_ =	swait.ge [sflag:s14], $0xA00  }
0xd5: {  	[sflag:s14] =	ssyncset.done $0x0  }
0xd6: {  	[sflag:s14] =	ssyncadd.s32 $0xFFFFF600  }
0xd7: {  	_ =	swait.ge [sflag:s14], $0xA00  }
0xd8: {  	[sflag:s14] =	ssyncset.done $0x0  }
0xd9: {  	[sflag:s14] =	ssyncadd.s32 $0xFFFFF600  }
0xda: {  	_ =	swait.ge [sflag:s14], $0xA00  }
0xdb: {  	[sflag:s14] =	ssyncset.done $0x0  }
0xdc: {  	[sflag:s14] =	ssyncadd.s32 $0xFFFFF600  }
0xdd: {  	_ =	swait.ge [sflag:s14], $0xA00  }
0xde: {  	[sflag:s14] =	ssyncset.done $0x0  }
0xdf: {  	[sflag:s14] =	ssyncadd.s32 $0xFFFFF600  }
0xe0: {  	_ =	swait.ge [sflag:s14], $0xA00  }
0xe1: {  	[sflag:s14] =	ssyncset.done $0x0  }
0xe2: {  	[sflag:s14] =	ssyncadd.s32 $0xFFFFF600  }
0xe3: {  	_ =	swait.ge [sflag:s14], $0xA00  }
0xe4: {  	[sflag:s14] =	ssyncset.done $0x0  }
0xe5: {  	[sflag:s14] =	ssyncadd.s32 $0xFFFFF600  }
0xe6: {  	_ =	swait.ge [sflag:s14], $0xA00  }
0xe7: {  	[sflag:s14] =	ssyncset.done $0x0  }
0xe8: {  	[sflag:s14] =	ssyncadd.s32 $0xFFFFF600  }
0xe9: {  	_ =	swait.ge [sflag:s14], $0xA00  }
0xea: {  	[sflag:s14] =	ssyncset.done $0x0  }
0xeb: {  	[sflag:s14] =	ssyncadd.s32 $0xFFFFF600  }
0xec: {  	_ =	swait.ge [sflag:s14], $0xA00  }
0xed: {  	[sflag:s14] =	ssyncset.done $0x0  }
0xee: {  	[sflag:s14] =	ssyncadd.s32 $0xFFFFF600  }
0xef: {  	_ =	swait.ge [sflag:s14], $0xA00  }
0xf0: {  	[sflag:s14] =	ssyncset.done $0x0  }
0xf1: {  	[sflag:s14] =	ssyncadd.s32 $0xFFFFF600  }
0xf2: {  	_ =	swait.ge [sflag:s14], $0xA00  }
0xf3: {  	[sflag:s14] =	ssyncset.done $0x0  }
0xf4: {  	[sflag:s14] =	ssyncadd.s32 $0xFFFFF600  }
0xf5: {  	_ =	swait.ge [sflag:s14], $0xA00  }
0xf6: {  	[sflag:s14] =	ssyncset.done $0x0  }
0xf7: {  	[sflag:s14] =	ssyncadd.s32 $0xFFFFF600  }
0xf8: {  	_ =	swait.ge [sflag:s14], $0xA00  }
0xf9: {  	[sflag:s14] =	ssyncset.done $0x0  }
0xfa: {  	[sflag:s14] =	ssyncadd.s32 $0xFFFFF600  }
0xfb: {  	_ =	swait.ge [sflag:s14], $0xA00  }
0xfc: {  	[sflag:s14] =	ssyncset.done $0x0  }
0xfd: {  	[sflag:s14] =	ssyncadd.s32 $0xFFFFF600  }
0xfe: {  	_ =	swait.ge [sflag:s14], $0xA00  }
0xff: {  	s15 =	rddreg [dreg:$0x4]  }
0x100: {  	s1 =	rddreg [dreg:$0x3];
	s15 =	sadd.s32 $0x1, s15  }
0x101: {  	p0 =	sne.s32 s15, s1  }
.Ltmp6:
0x102: {  	_ = 	snop;
	(pc) =	sbr.rel @p0 .LBB2_1-.Ltmp6, $3  }
0x103: {  	_ =	sdelay $0x1  }
0x104: {  	[sflag:s14] =	ssyncset.done $0x0  }
0x105: {  	[sflag:s14] =	ssyncadd.s32 $0xFFFFF600  }
0x106: {  	_ =	sfence.sel $0x180000  }
0x107: {  	[bflag:$0x0] =	sbarrier.arrive $0xFFFF  }
0x108: {  	_ =	strace $0x9000004A  }
0x109: {  	s0 =	stileid.u32;
	[bflag:$0x2] =	sbarrier.arrive $0xFFFF  }
0x10a: {  	p0 =	sne.s32 s0, $0x0;
	s0 =	rddreg [dreg:$0x1]  }
0x10b: {  	s0 =	sadd.s32 @!p0 $0x100000, s0  }
0x10c: {  	[sflag:s0] =	ssyncadd.tile.s32 @!p0 $0x1;
	_ =	shalt  }
.Lfunc_end2:
_tile_overlayer_lowered:
.L_overlay_start_2:
0x10d: {  	(tag) =	ssettag $0x2  }
0x10e: {  	s0 =	rddreg [dreg:$0x0];
	s2 =	stileid.u32  }
0x10f: {  	s1 =	rddreg [dreg:$0x1];
	p0 =	sne.s32 s2, $0x0  }
0x110: {  	s3 =	rddreg [dreg:$0x2];
	[bflag:$0x3] =	sbarrier.arrive $0xFFFF;
	s2 =	simm.s32 @!p0 $0x1C07  }
0x111: {  	[timem:s3], [sflag:s2] =	dma.local @!p0 [hbm:s0], s1  }
0x112: {  	s0 =	simm.s32 @!p0 $0x7  }
0x113: {  	_ =	swait.ge @!p0 [sflag:s0], s1  }
0x114: {  	s1 =	ssub.s32 @!p0 $0x0, s1;
	[sflag:s0] =	ssyncset.done @!p0 $0x0  }
0x115: {  	[sflag:s0] =	ssyncadd.s32 @!p0 s1  }
0x116: {  	[bflag:$0x3] =	sbarrier.arrive $0xFFFF  }
0x117: {  	_ =	shalt  }

</sc_bundles>
